<compile_context>
chip_gen: v7x
topology: tpu7x:2x2x1
jax: 0.10.2.dev20260603
libtpu: 0.0.44.dev20260713+nightly
codegen_flags: <defaults>
</compile_context>

<pallas_src>
import functools

import jax
import jax.numpy as jnp
from jax import lax
from jax.experimental import pallas as pl
from jax.experimental.pallas import tpu as pltpu
from jax.experimental.pallas import tpu_sc as plsc

N = 10000
E = 320000
D = 128

NC = 2
NS = 16
NW = NC * NS
CHUNK = 128
CPT = -(-E // (NW * CHUNK))
EPT = CPT * CHUNK
EPAD = NW * EPT
NPAD = N + 8
NDEG = CPT * CHUNK

_mesh = plsc.VectorSubcoreMesh(core_axis_name="c", subcore_axis_name="s")


def _make_spmm(with_deg):
    out_type = [jax.ShapeDtypeStruct((NC, N, D), jnp.float32)]
    if with_deg:
        out_type.append(jax.ShapeDtypeStruct((NC, NDEG), jnp.float32))

    def body_fn(z_hbm, src_hbm, dst_hbm, zrow_hbm, zdeg_hbm, *rest):
        if with_deg:
            (out_hbm, deg_hbm, src_v, dst_v, rows_v, ones_v,
             acc_sh, deg_sh, sem) = rest
        else:
            (out_hbm, src_v, dst_v, rows_v, ones_v,
             acc_sh, deg_sh, sem) = rest
        c = lax.axis_index("c")
        s = lax.axis_index("s")
        wid = c * NS + s

        @pl.when(s == 0)
        def _init():
            pltpu.sync_copy(zrow_hbm, acc_sh)
            if with_deg:
                pltpu.sync_copy(zdeg_hbm, deg_sh)

        plsc.subcore_barrier()

        pltpu.sync_copy(src_hbm.at[wid], src_v)
        pltpu.sync_copy(dst_hbm.at[wid], dst_v)
        if with_deg:
            for k in range(8):
                ones_v[pl.ds(k * 16, 16)] = jnp.ones((16,), jnp.float32)

        def body(j, carry):
            pltpu.async_copy(z_hbm.at[src_v.at[j]], rows_v, sem).wait()
            pltpu.sync_copy(rows_v, acc_sh.at[dst_v.at[j]], add=True)
            if with_deg:
                pltpu.sync_copy(ones_v, deg_sh.at[dst_v.at[j]], add=True)
            return carry

        lax.fori_loop(0, CPT, body, 0)

        plsc.subcore_barrier()

        @pl.when(s == 0)
        def _emit():
            pltpu.sync_copy(acc_sh.at[pl.ds(0, N)], out_hbm.at[c])
            if with_deg:
                pltpu.sync_copy(deg_sh, deg_hbm.at[c])

    return pl.kernel(
        body_fn,
        out_type=out_type,
        mesh=_mesh,
        scratch_types=[
            pltpu.VMEM((CPT, CHUNK), jnp.int32),
            pltpu.VMEM((CPT, CHUNK), jnp.int32),
            pltpu.VMEM((CHUNK, D), jnp.float32),
            pltpu.VMEM((CHUNK,), jnp.float32),
            pltpu.VMEM_SHARED((NPAD, D), jnp.float32),
            pltpu.VMEM_SHARED((NDEG,), jnp.float32),
            pltpu.SemaphoreType.DMA,
        ],
    )


_spmm_deg = _make_spmm(True)
_spmm_nodeg = _make_spmm(False)


RB = 1000
_GRID = N // RB


def _mm_body(x_ref, w_ref, o_ref):
    o_ref[...] = jnp.dot(x_ref[...], w_ref[...],
                         preferred_element_type=jnp.float32)


def _matmul(x, w):
    return pl.pallas_call(
        _mm_body,
        grid=(_GRID,),
        in_specs=[
            pl.BlockSpec((RB, D), lambda i: (i, 0)),
            pl.BlockSpec((D, D), lambda i: (0, 0)),
        ],
        out_specs=pl.BlockSpec((RB, D), lambda i: (i, 0)),
        out_shape=jax.ShapeDtypeStruct((N, D), jnp.float32),
    )(x, w)


def _combine_mm_body(p_ref, z_ref, d_ref, b_ref, w_ref, o_ref, invd_ref):
    invd = 1.0 / (d_ref[0] + d_ref[1] + 1.0)
    h = (p_ref[0] + p_ref[1] + z_ref[...]) * invd + b_ref[...]
    h = jnp.where(h >= 0, h, 0.01 * h)
    invd_ref[...] = invd
    o_ref[...] = jnp.dot(h, w_ref[...], preferred_element_type=jnp.float32)


def _combine_mm(p, z, dparts, b, w):
    return pl.pallas_call(
        _combine_mm_body,
        grid=(_GRID,),
        in_specs=[
            pl.BlockSpec((NC, RB, D), lambda i: (0, i, 0)),
            pl.BlockSpec((RB, D), lambda i: (i, 0)),
            pl.BlockSpec((NC, RB, 1), lambda i: (0, i, 0)),
            pl.BlockSpec((1, D), lambda i: (0, 0)),
            pl.BlockSpec((D, D), lambda i: (0, 0)),
        ],
        out_specs=[
            pl.BlockSpec((RB, D), lambda i: (i, 0)),
            pl.BlockSpec((RB, 1), lambda i: (i, 0)),
        ],
        out_shape=[
            jax.ShapeDtypeStruct((N, D), jnp.float32),
            jax.ShapeDtypeStruct((N, 1), jnp.float32),
        ],
    )(p, z, dparts, b, w)


def _final_body(q_ref, z_ref, invd_ref, b_ref, o_ref):
    o_ref[...] = ((q_ref[0] + q_ref[1] + z_ref[...]) * invd_ref[...]
                  + b_ref[...])


def _final(q, z, invd, b):
    return pl.pallas_call(
        _final_body,
        grid=(_GRID,),
        in_specs=[
            pl.BlockSpec((NC, RB, D), lambda i: (0, i, 0)),
            pl.BlockSpec((RB, D), lambda i: (i, 0)),
            pl.BlockSpec((RB, 1), lambda i: (i, 0)),
            pl.BlockSpec((1, D), lambda i: (0, 0)),
        ],
        out_specs=pl.BlockSpec((RB, D), lambda i: (i, 0)),
        out_shape=jax.ShapeDtypeStruct((N, D), jnp.float32),
    )(q, z, invd, b)


def kernel(x, edge_index, W1, b1, W2, b2):
    src = edge_index[0]
    dst = edge_index[1]
    pad = EPAD - E
    srcp = jnp.concatenate([src, jnp.zeros((pad,), jnp.int32)]).reshape(NW, CPT, CHUNK)
    dstp = jnp.concatenate([dst, jnp.full((pad,), N, jnp.int32)]).reshape(NW, CPT, CHUNK)
    zrow = jnp.zeros((NPAD, D), jnp.float32)
    zdeg = jnp.zeros((NDEG,), jnp.float32)
    b1r = b1.reshape(1, D)
    b2r = b2.reshape(1, D)

    z1 = _matmul(x, W1)
    p, degp = _spmm_deg(z1, srcp, dstp, zrow, zdeg)
    dparts = degp[:, :N, None]
    z2, invd = _combine_mm(p, z1, dparts, b1r, W2)
    q, = _spmm_nodeg(z2, srcp, dstp, zrow, zdeg)
    return _final(q, z2, invd, b2r)

# --- scband reference (transcript-rebuilt; emitter-appended) ---
"""Pipeline reference for scband-graph-sage-71468255805600 (READ-ONLY COPY).

The authoritative reference and input builder live on the scoring server;
editing this copy changes nothing except your own understanding.
"""

import jax, jax.numpy as jnp
import numpy as np

N = 10000
E = 320000
D = 128


def setup_inputs(seed: int = 0) -> dict:
    key = jax.random.key(seed)
    k1, k2, k3, k4 = jax.random.split(key, 4)
    x = jax.random.normal(k1, (N, D), dtype=jnp.float32)
    edge_index = jax.random.randint(k2, (2, E), 0, N, dtype=jnp.int32)
    # SAGEConv 'gcn' aggregator has only fc_neigh (no fc_self) + bias
    W1 = jax.random.normal(k3, (D, D), dtype=jnp.float32) * (1.0 / np.sqrt(D))
    b1 = jnp.zeros((D,), dtype=jnp.float32)
    W2 = jax.random.normal(k4, (D, D), dtype=jnp.float32) * (1.0 / np.sqrt(D))
    b2 = jnp.zeros((D,), dtype=jnp.float32)
    return {"x": x, "edge_index": edge_index, "W1": W1, "b1": b1, "W2": W2, "b2": b2}


def reference(x, edge_index, W1, b1, W2, b2):
    # Full-graph MFG: dst nodes == all nodes, so h_dst = h[:N] = h.
    src = edge_index[0]
    dst = edge_index[1]

    def sage_gcn(h, W, b):
        # DGL SAGEConv aggregator_type='gcn':
        # h_neigh = (sum_{u in N(v)} h_u + h_v) / (in_degree(v) + 1)
        # out = h_neigh @ W + b
        msgs = h[src]                                   # gather [E, D]
        agg = jax.ops.segment_sum(msgs, dst, num_segments=N)
        deg = jax.ops.segment_sum(jnp.ones((E,), dtype=h.dtype), dst, num_segments=N)
        h_neigh = (agg + h) / (deg[:, None] + 1.0)
        return h_neigh @ W + b

    # layer 0: SAGEConv + leaky_relu (dropout=0.0 -> identity at inference)
    h = jax.nn.leaky_relu(sage_gcn(x, W1, b1), negative_slope=0.01)
    # layer 1 (last): SAGEConv, no activation
    h = sage_gcn(h, W2, b2)
    return h

if __name__ == "__main__":
    import jax
    _d = setup_inputs()
    print(jax.jit(kernel)(*tuple(_d.values())))

</pallas_src>

<mosaic_0001>
#map = affine_map<(d0, d1) -> (0, 0)>
#map1 = affine_map<(d0, d1) -> (0, 0, 0)>
#map2 = affine_map<(d0, d1) -> (0)>
module attributes {stable_mosaic.version = 14 : i64} {
  func.func @body_fn(%arg0: i32, %arg1: i32, %arg2: memref<10000x128xf32, #tpu.memory_space<hbm>>, %arg3: memref<32x79x128xi32, #tpu.memory_space<hbm>>, %arg4: memref<32x79x128xi32, #tpu.memory_space<hbm>>, %arg5: memref<10008x128xf32, #tpu.memory_space<hbm>>, %arg6: memref<10112xf32, #tpu.memory_space<hbm>>, %arg7: memref<2x10000x128xf32, #tpu.memory_space<hbm>>, %arg8: memref<2x10112xf32, #tpu.memory_space<hbm>>, %arg9: memref<79x128xi32, #tpu.memory_space<vmem>>, %arg10: memref<79x128xi32, #tpu.memory_space<vmem>>, %arg11: memref<128x128xf32, #tpu.memory_space<vmem>>, %arg12: memref<128xf32, #tpu.memory_space<vmem>>, %arg13: memref<10008x128xf32, #tpu.memory_space<vmem_shared>>, %arg14: memref<10112xf32, #tpu.memory_space<vmem_shared>>, %arg15: memref<!tpu.dma_semaphore, #tpu.memory_space<semaphore_mem>>) attributes {dimension_semantics = [#tpu.dimension_semantics<core_parallel>, #tpu.dimension_semantics<subcore_parallel>], iteration_bounds = array<i64: 2, 16>, scalar_prefetch = 0 : i64, scratch_operands = 7 : i64, tpu.core_type = #tpu.core_type<sc_vector_subcore>, window_params = [{transform_indices = #map}, {transform_indices = #map1}, {transform_indices = #map1}, {transform_indices = #map}, {transform_indices = #map2}, {transform_indices = #map1}, {transform_indices = #map}]} {
    %mul3A = arith.constant 16 : i32
    %mul3A_0 = arith.muli %arg0, %mul3A : i32
    %add3A = arith.addi %mul3A_0, %arg1 : i32
    %eq3A = arith.constant 0 : i32
    %eq3A_1 = arith.cmpi eq, %arg1, %eq3A : i32
    %convert_element_type3A = arith.extui %eq3A_1 : i1 to i32
    %cond3A = arith.constant 0 : i32
    %cond3A_2 = arith.cmpi ne, %convert_element_type3A, %cond3A : i32
    scf.if %cond3A_2 {
      "tpu.region"() ({
        %run_scoped3A = tpu.sem_alloc : memref<!tpu.dma_semaphore, #tpu.memory_space<semaphore_mem>>
        tpu.enqueue_dma source(%arg5 : memref<10008x128xf32, #tpu.memory_space<hbm>>) target(%arg13 : memref<10008x128xf32, #tpu.memory_space<vmem_shared>>) target_semaphore(%run_scoped3A : memref<!tpu.dma_semaphore, #tpu.memory_space<semaphore_mem>>)
        tpu.wait_dma2 semaphore(%run_scoped3A : memref<!tpu.dma_semaphore, #tpu.memory_space<semaphore_mem>>) src(%arg5 : memref<10008x128xf32, #tpu.memory_space<hbm>>) dst(%arg13 : memref<10008x128xf32, #tpu.memory_space<vmem_shared>>)
        tpu.yield
      }) : () -> ()
      "tpu.region"() ({
        %run_scoped3A = tpu.sem_alloc : memref<!tpu.dma_semaphore, #tpu.memory_space<semaphore_mem>>
        tpu.enqueue_dma source(%arg6 : memref<10112xf32, #tpu.memory_space<hbm>>) target(%arg14 : memref<10112xf32, #tpu.memory_space<vmem_shared>>) target_semaphore(%run_scoped3A : memref<!tpu.dma_semaphore, #tpu.memory_space<semaphore_mem>>)
        tpu.wait_dma2 semaphore(%run_scoped3A : memref<!tpu.dma_semaphore, #tpu.memory_space<semaphore_mem>>) src(%arg6 : memref<10112xf32, #tpu.memory_space<hbm>>) dst(%arg14 : memref<10112xf32, #tpu.memory_space<vmem_shared>>)
        tpu.yield
      }) : () -> ()
    } else {
    }
    %barrier3A = arith.constant 0 : index
    tpu.barrier barrier_id(%barrier3A)
    "tpu.region"() ({
      %run_scoped3A = tpu.sem_alloc : memref<!tpu.dma_semaphore, #tpu.memory_space<semaphore_mem>>
      %dma_start3A = arith.constant 0 : i32
      %dma_start3A_60 = arith.constant 0 : i32
      %dma_start3A_61 = tpu.memref_slice %arg3[%add3A, %dma_start3A, %dma_start3A_60] : memref<32x79x128xi32, #tpu.memory_space<hbm>> -> memref<1x79x128xi32, #tpu.memory_space<hbm>>
      %dma_start3A_62 = tpu.memref_squeeze %dma_start3A_61 : memref<1x79x128xi32, #tpu.memory_space<hbm>> -> memref<79x128xi32, #tpu.memory_space<hbm>>
      %dma_start3A_63 = arith.constant 0 : i32
      %dma_start3A_64 = arith.constant 0 : i32
      %dma_start3A_65 = tpu.memref_slice %arg3[%add3A, %dma_start3A_63, %dma_start3A_64] : memref<32x79x128xi32, #tpu.memory_space<hbm>> -> memref<1x79x128xi32, #tpu.memory_space<hbm>>
      %dma_start3A_66 = tpu.memref_squeeze %dma_start3A_65 : memref<1x79x128xi32, #tpu.memory_space<hbm>> -> memref<79x128xi32, #tpu.memory_space<hbm>>
      tpu.enqueue_dma source(%dma_start3A_66 : memref<79x128xi32, #tpu.memory_space<hbm>>) target(%arg9 : memref<79x128xi32, #tpu.memory_space<vmem>>) target_semaphore(%run_scoped3A : memref<!tpu.dma_semaphore, #tpu.memory_space<semaphore_mem>>)
      %dma_wait3A = arith.constant 0 : i32
      %dma_wait3A_67 = arith.constant 0 : i32
      %dma_wait3A_68 = tpu.memref_slice %arg3[%add3A, %dma_wait3A, %dma_wait3A_67] : memref<32x79x128xi32, #tpu.memory_space<hbm>> -> memref<1x79x128xi32, #tpu.memory_space<hbm>>
      %dma_wait3A_69 = tpu.memref_squeeze %dma_wait3A_68 : memref<1x79x128xi32, #tpu.memory_space<hbm>> -> memref<79x128xi32, #tpu.memory_space<hbm>>
      %dma_wait3A_70 = arith.constant 0 : i32
      %dma_wait3A_71 = arith.constant 0 : i32
      %dma_wait3A_72 = tpu.memref_slice %arg3[%add3A, %dma_wait3A_70, %dma_wait3A_71] : memref<32x79x128xi32, #tpu.memory_space<hbm>> -> memref<1x79x128xi32, #tpu.memory_space<hbm>>
      %dma_wait3A_73 = tpu.memref_squeeze %dma_wait3A_72 : memref<1x79x128xi32, #tpu.memory_space<hbm>> -> memref<79x128xi32, #tpu.memory_space<hbm>>
      tpu.wait_dma2 semaphore(%run_scoped3A : memref<!tpu.dma_semaphore, #tpu.memory_space<semaphore_mem>>) src(%dma_wait3A_73 : memref<79x128xi32, #tpu.memory_space<hbm>>) dst(%arg9 : memref<79x128xi32, #tpu.memory_space<vmem>>)
      tpu.yield
    }) : () -> ()
    "tpu.region"() ({
      %run_scoped3A = tpu.sem_alloc : memref<!tpu.dma_semaphore, #tpu.memory_space<semaphore_mem>>
      %dma_start3A = arith.constant 0 : i32
      %dma_start3A_60 = arith.constant 0 : i32
      %dma_start3A_61 = tpu.memref_slice %arg4[%add3A, %dma_start3A, %dma_start3A_60] : memref<32x79x128xi32, #tpu.memory_space<hbm>> -> memref<1x79x128xi32, #tpu.memory_space<hbm>>
      %dma_start3A_62 = tpu.memref_squeeze %dma_start3A_61 : memref<1x79x128xi32, #tpu.memory_space<hbm>> -> memref<79x128xi32, #tpu.memory_space<hbm>>
      %dma_start3A_63 = arith.constant 0 : i32
      %dma_start3A_64 = arith.constant 0 : i32
      %dma_start3A_65 = tpu.memref_slice %arg4[%add3A, %dma_start3A_63, %dma_start3A_64] : memref<32x79x128xi32, #tpu.memory_space<hbm>> -> memref<1x79x128xi32, #tpu.memory_space<hbm>>
      %dma_start3A_66 = tpu.memref_squeeze %dma_start3A_65 : memref<1x79x128xi32, #tpu.memory_space<hbm>> -> memref<79x128xi32, #tpu.memory_space<hbm>>
      tpu.enqueue_dma source(%dma_start3A_66 : memref<79x128xi32, #tpu.memory_space<hbm>>) target(%arg10 : memref<79x128xi32, #tpu.memory_space<vmem>>) target_semaphore(%run_scoped3A : memref<!tpu.dma_semaphore, #tpu.memory_space<semaphore_mem>>)
      %dma_wait3A = arith.constant 0 : i32
      %dma_wait3A_67 = arith.constant 0 : i32
      %dma_wait3A_68 = tpu.memref_slice %arg4[%add3A, %dma_wait3A, %dma_wait3A_67] : memref<32x79x128xi32, #tpu.memory_space<hbm>> -> memref<1x79x128xi32, #tpu.memory_space<hbm>>
      %dma_wait3A_69 = tpu.memref_squeeze %dma_wait3A_68 : memref<1x79x128xi32, #tpu.memory_space<hbm>> -> memref<79x128xi32, #tpu.memory_space<hbm>>
      %dma_wait3A_70 = arith.constant 0 : i32
      %dma_wait3A_71 = arith.constant 0 : i32
      %dma_wait3A_72 = tpu.memref_slice %arg4[%add3A, %dma_wait3A_70, %dma_wait3A_71] : memref<32x79x128xi32, #tpu.memory_space<hbm>> -> memref<1x79x128xi32, #tpu.memory_space<hbm>>
      %dma_wait3A_73 = tpu.memref_squeeze %dma_wait3A_72 : memref<1x79x128xi32, #tpu.memory_space<hbm>> -> memref<79x128xi32, #tpu.memory_space<hbm>>
      tpu.wait_dma2 semaphore(%run_scoped3A : memref<!tpu.dma_semaphore, #tpu.memory_space<semaphore_mem>>) src(%dma_wait3A_73 : memref<79x128xi32, #tpu.memory_space<hbm>>) dst(%arg10 : memref<79x128xi32, #tpu.memory_space<vmem>>)
      tpu.yield
    }) : () -> ()
    %broadcast_in_dim3A = arith.constant 1.000000e+00 : f32
    %broadcast_in_dim3A_3 = vector.broadcast %broadcast_in_dim3A : f32 to vector<16xf32>
    %swap3A = arith.constant 0 : index
    %swap3A_4 = tpu.vector_load %arg12[%swap3A] {strides = array<i32>} : memref<128xf32, #tpu.memory_space<vmem>>, vector<16xf32>,
    %swap3A_5 = vector.shape_cast %swap3A_4 : vector<16xf32> to vector<16xf32>
    %swap3A_6 = vector.shape_cast %broadcast_in_dim3A_3 : vector<16xf32> to vector<16xf32>
    tpu.vector_store %arg12[%swap3A], %swap3A_6 {strides = array<i32>} : memref<128xf32, #tpu.memory_space<vmem>>, vector<16xf32>,
    %broadcast_in_dim3A_7 = arith.constant 1.000000e+00 : f32
    %broadcast_in_dim3A_8 = vector.broadcast %broadcast_in_dim3A_7 : f32 to vector<16xf32>
    %swap3A_9 = arith.constant 16 : index
    %swap3A_10 = tpu.vector_load %arg12[%swap3A_9] {strides = array<i32>} : memref<128xf32, #tpu.memory_space<vmem>>, vector<16xf32>,
    %swap3A_11 = vector.shape_cast %swap3A_10 : vector<16xf32> to vector<16xf32>
    %swap3A_12 = vector.shape_cast %broadcast_in_dim3A_8 : vector<16xf32> to vector<16xf32>
    tpu.vector_store %arg12[%swap3A_9], %swap3A_12 {strides = array<i32>} : memref<128xf32, #tpu.memory_space<vmem>>, vector<16xf32>,
    %broadcast_in_dim3A_13 = arith.constant 1.000000e+00 : f32
    %broadcast_in_dim3A_14 = vector.broadcast %broadcast_in_dim3A_13 : f32 to vector<16xf32>
    %swap3A_15 = arith.constant 32 : index
    %swap3A_16 = tpu.vector_load %arg12[%swap3A_15] {strides = array<i32>} : memref<128xf32, #tpu.memory_space<vmem>>, vector<16xf32>,
    %swap3A_17 = vector.shape_cast %swap3A_16 : vector<16xf32> to vector<16xf32>
    %swap3A_18 = vector.shape_cast %broadcast_in_dim3A_14 : vector<16xf32> to vector<16xf32>
    tpu.vector_store %arg12[%swap3A_15], %swap3A_18 {strides = array<i32>} : memref<128xf32, #tpu.memory_space<vmem>>, vector<16xf32>,
    %broadcast_in_dim3A_19 = arith.constant 1.000000e+00 : f32
    %broadcast_in_dim3A_20 = vector.broadcast %broadcast_in_dim3A_19 : f32 to vector<16xf32>
    %swap3A_21 = arith.constant 48 : index
    %swap3A_22 = tpu.vector_load %arg12[%swap3A_21] {strides = array<i32>} : memref<128xf32, #tpu.memory_space<vmem>>, vector<16xf32>,
    %swap3A_23 = vector.shape_cast %swap3A_22 : vector<16xf32> to vector<16xf32>
    %swap3A_24 = vector.shape_cast %broadcast_in_dim3A_20 : vector<16xf32> to vector<16xf32>
    tpu.vector_store %arg12[%swap3A_21], %swap3A_24 {strides = array<i32>} : memref<128xf32, #tpu.memory_space<vmem>>, vector<16xf32>,
    %broadcast_in_dim3A_25 = arith.constant 1.000000e+00 : f32
    %broadcast_in_dim3A_26 = vector.broadcast %broadcast_in_dim3A_25 : f32 to vector<16xf32>
    %swap3A_27 = arith.constant 64 : index
    %swap3A_28 = tpu.vector_load %arg12[%swap3A_27] {strides = array<i32>} : memref<128xf32, #tpu.memory_space<vmem>>, vector<16xf32>,
    %swap3A_29 = vector.shape_cast %swap3A_28 : vector<16xf32> to vector<16xf32>
    %swap3A_30 = vector.shape_cast %broadcast_in_dim3A_26 : vector<16xf32> to vector<16xf32>
    tpu.vector_store %arg12[%swap3A_27], %swap3A_30 {strides = array<i32>} : memref<128xf32, #tpu.memory_space<vmem>>, vector<16xf32>,
    %broadcast_in_dim3A_31 = arith.constant 1.000000e+00 : f32
    %broadcast_in_dim3A_32 = vector.broadcast %broadcast_in_dim3A_31 : f32 to vector<16xf32>
    %swap3A_33 = arith.constant 80 : index
    %swap3A_34 = tpu.vector_load %arg12[%swap3A_33] {strides = array<i32>} : memref<128xf32, #tpu.memory_space<vmem>>, vector<16xf32>,
    %swap3A_35 = vector.shape_cast %swap3A_34 : vector<16xf32> to vector<16xf32>
    %swap3A_36 = vector.shape_cast %broadcast_in_dim3A_32 : vector<16xf32> to vector<16xf32>
    tpu.vector_store %arg12[%swap3A_33], %swap3A_36 {strides = array<i32>} : memref<128xf32, #tpu.memory_space<vmem>>, vector<16xf32>,
    %broadcast_in_dim3A_37 = arith.constant 1.000000e+00 : f32
    %broadcast_in_dim3A_38 = vector.broadcast %broadcast_in_dim3A_37 : f32 to vector<16xf32>
    %swap3A_39 = arith.constant 96 : index
    %swap3A_40 = tpu.vector_load %arg12[%swap3A_39] {strides = array<i32>} : memref<128xf32, #tpu.memory_space<vmem>>, vector<16xf32>,
    %swap3A_41 = vector.shape_cast %swap3A_40 : vector<16xf32> to vector<16xf32>
    %swap3A_42 = vector.shape_cast %broadcast_in_dim3A_38 : vector<16xf32> to vector<16xf32>
    tpu.vector_store %arg12[%swap3A_39], %swap3A_42 {strides = array<i32>} : memref<128xf32, #tpu.memory_space<vmem>>, vector<16xf32>,
    %broadcast_in_dim3A_43 = arith.constant 1.000000e+00 : f32
    %broadcast_in_dim3A_44 = vector.broadcast %broadcast_in_dim3A_43 : f32 to vector<16xf32>
    %swap3A_45 = arith.constant 112 : index
    %swap3A_46 = tpu.vector_load %arg12[%swap3A_45] {strides = array<i32>} : memref<128xf32, #tpu.memory_space<vmem>>, vector<16xf32>,
    %swap3A_47 = vector.shape_cast %swap3A_46 : vector<16xf32> to vector<16xf32>
    %swap3A_48 = vector.shape_cast %broadcast_in_dim3A_44 : vector<16xf32> to vector<16xf32>
    tpu.vector_store %arg12[%swap3A_45], %swap3A_48 {strides = array<i32>} : memref<128xf32, #tpu.memory_space<vmem>>, vector<16xf32>,
    %scan3A = arith.constant 0 : i32
    %scan3A_49 = arith.constant 0 : i32
    %scan3A_50 = arith.constant 79 : i32
    %scan3A_51 = arith.addi %scan3A_49, %scan3A_50 : i32
    %scan3A_52 = arith.constant 1 : i32
    scf.for %scan3A_60 = %scan3A_49 to %scan3A_51 step %scan3A_52  : i32 {
      %dma_start3A = arith.constant 0 : i32
      %dma_start3A_61 = tpu.memref_slice %arg9[%scan3A_60, %dma_start3A] : memref<79x128xi32, #tpu.memory_space<vmem>> -> memref<1x128xi32, #tpu.memory_space<vmem>>
      %dma_start3A_62 = tpu.memref_squeeze %dma_start3A_61 : memref<1x128xi32, #tpu.memory_space<vmem>> -> memref<128xi32, #tpu.memory_space<vmem>>
      %dma_start3A_63 = arith.constant 0 : i32
      %dma_start3A_64 = arith.constant 0 : i32
      %dma_start3A_65 = tpu.memref_slice %arg2[%dma_start3A_63, %dma_start3A_64] : memref<10000x128xf32, #tpu.memory_space<hbm>> -> memref<10000x128xf32, #tpu.memory_space<hbm>>
      tpu.enqueue_indirect_dma source(%dma_start3A_65 : memref<10000x128xf32, #tpu.memory_space<hbm>>) target(%arg11 : memref<128x128xf32, #tpu.memory_space<vmem>>) offsets(%dma_start3A_62 : memref<128xi32, #tpu.memory_space<vmem>>) semaphore(%arg15 : memref<!tpu.dma_semaphore, #tpu.memory_space<semaphore_mem>>)
      %dma_wait3A = arith.constant 0 : i32
      %dma_wait3A_66 = tpu.memref_slice %arg9[%scan3A_60, %dma_wait3A] : memref<79x128xi32, #tpu.memory_space<vmem>> -> memref<1x128xi32, #tpu.memory_space<vmem>>
      %dma_wait3A_67 = tpu.memref_squeeze %dma_wait3A_66 : memref<1x128xi32, #tpu.memory_space<vmem>> -> memref<128xi32, #tpu.memory_space<vmem>>
      %dma_wait3A_68 = arith.constant 0 : i32
      %dma_wait3A_69 = arith.constant 0 : i32
      %dma_wait3A_70 = tpu.memref_slice %arg2[%dma_wait3A_68, %dma_wait3A_69] : memref<10000x128xf32, #tpu.memory_space<hbm>> -> memref<10000x128xf32, #tpu.memory_space<hbm>>
      tpu.wait_indirect_dma semaphore(%arg15 : memref<!tpu.dma_semaphore, #tpu.memory_space<semaphore_mem>>) src(%dma_wait3A_70 : memref<10000x128xf32, #tpu.memory_space<hbm>>) dst(%arg11 : memref<128x128xf32, #tpu.memory_space<vmem>>)
      "tpu.region"() ({
        %run_scoped3A = tpu.sem_alloc : memref<!tpu.dma_semaphore, #tpu.memory_space<semaphore_mem>>
        %dma_start3A_71 = arith.constant 0 : i32
        %dma_start3A_72 = tpu.memref_slice %arg10[%scan3A_60, %dma_start3A_71] : memref<79x128xi32, #tpu.memory_space<vmem>> -> memref<1x128xi32, #tpu.memory_space<vmem>>
        %dma_start3A_73 = tpu.memref_squeeze %dma_start3A_72 : memref<1x128xi32, #tpu.memory_space<vmem>> -> memref<128xi32, #tpu.memory_space<vmem>>
        %dma_start3A_74 = arith.constant 0 : i32
        %dma_start3A_75 = arith.constant 0 : i32
        %dma_start3A_76 = tpu.memref_slice %arg13[%dma_start3A_74, %dma_start3A_75] : memref<10008x128xf32, #tpu.memory_space<vmem_shared>> -> memref<10008x128xf32, #tpu.memory_space<vmem_shared>>
        tpu.enqueue_indirect_dma source(%arg11 : memref<128x128xf32, #tpu.memory_space<vmem>>) target(%dma_start3A_76 : memref<10008x128xf32, #tpu.memory_space<vmem_shared>>) offsets(%dma_start3A_73 : memref<128xi32, #tpu.memory_space<vmem>>) semaphore(%run_scoped3A : memref<!tpu.dma_semaphore, #tpu.memory_space<semaphore_mem>>) {add = true}
        %dma_wait3A_77 = arith.constant 0 : i32
        %dma_wait3A_78 = tpu.memref_slice %arg10[%scan3A_60, %dma_wait3A_77] : memref<79x128xi32, #tpu.memory_space<vmem>> -> memref<1x128xi32, #tpu.memory_space<vmem>>
        %dma_wait3A_79 = tpu.memref_squeeze %dma_wait3A_78 : memref<1x128xi32, #tpu.memory_space<vmem>> -> memref<128xi32, #tpu.memory_space<vmem>>
        %dma_wait3A_80 = arith.constant 0 : i32
        %dma_wait3A_81 = arith.constant 0 : i32
        %dma_wait3A_82 = tpu.memref_slice %arg13[%dma_wait3A_80, %dma_wait3A_81] : memref<10008x128xf32, #tpu.memory_space<vmem_shared>> -> memref<10008x128xf32, #tpu.memory_space<vmem_shared>>
        tpu.wait_indirect_dma semaphore(%run_scoped3A : memref<!tpu.dma_semaphore, #tpu.memory_space<semaphore_mem>>) src(%arg11 : memref<128x128xf32, #tpu.memory_space<vmem>>) dst(%dma_wait3A_82 : memref<10008x128xf32, #tpu.memory_space<vmem_shared>>)
        tpu.yield
      }) : () -> ()
      "tpu.region"() ({
        %run_scoped3A = tpu.sem_alloc : memref<!tpu.dma_semaphore, #tpu.memory_space<semaphore_mem>>
        %dma_start3A_71 = arith.constant 0 : i32
        %dma_start3A_72 = tpu.memref_slice %arg10[%scan3A_60, %dma_start3A_71] : memref<79x128xi32, #tpu.memory_space<vmem>> -> memref<1x128xi32, #tpu.memory_space<vmem>>
        %dma_start3A_73 = tpu.memref_squeeze %dma_start3A_72 : memref<1x128xi32, #tpu.memory_space<vmem>> -> memref<128xi32, #tpu.memory_space<vmem>>
        %dma_start3A_74 = arith.constant 0 : i32
        %dma_start3A_75 = tpu.memref_slice %arg14[%dma_start3A_74] : memref<10112xf32, #tpu.memory_space<vmem_shared>> -> memref<10112xf32, #tpu.memory_space<vmem_shared>>
        tpu.enqueue_indirect_dma source(%arg12 : memref<128xf32, #tpu.memory_space<vmem>>) target(%dma_start3A_75 : memref<10112xf32, #tpu.memory_space<vmem_shared>>) offsets(%dma_start3A_73 : memref<128xi32, #tpu.memory_space<vmem>>) semaphore(%run_scoped3A : memref<!tpu.dma_semaphore, #tpu.memory_space<semaphore_mem>>) {add = true}
        %dma_wait3A_76 = arith.constant 0 : i32
        %dma_wait3A_77 = tpu.memref_slice %arg10[%scan3A_60, %dma_wait3A_76] : memref<79x128xi32, #tpu.memory_space<vmem>> -> memref<1x128xi32, #tpu.memory_space<vmem>>
        %dma_wait3A_78 = tpu.memref_squeeze %dma_wait3A_77 : memref<1x128xi32, #tpu.memory_space<vmem>> -> memref<128xi32, #tpu.memory_space<vmem>>
        %dma_wait3A_79 = arith.constant 0 : i32
        %dma_wait3A_80 = tpu.memref_slice %arg14[%dma_wait3A_79] : memref<10112xf32, #tpu.memory_space<vmem_shared>> -> memref<10112xf32, #tpu.memory_space<vmem_shared>>
        tpu.wait_indirect_dma semaphore(%run_scoped3A : memref<!tpu.dma_semaphore, #tpu.memory_space<semaphore_mem>>) src(%arg12 : memref<128xf32, #tpu.memory_space<vmem>>) dst(%dma_wait3A_80 : memref<10112xf32, #tpu.memory_space<vmem_shared>>)
        tpu.yield
      }) : () -> ()
    }
    %scan3A_53 = arith.constant 79 : i32
    %barrier3A_54 = arith.constant 0 : index
    tpu.barrier barrier_id(%barrier3A_54)
    %eq3A_55 = arith.constant 0 : i32
    %eq3A_56 = arith.cmpi eq, %arg1, %eq3A_55 : i32
    %convert_element_type3A_57 = arith.extui %eq3A_56 : i1 to i32
    %cond3A_58 = arith.constant 0 : i32
    %cond3A_59 = arith.cmpi ne, %convert_element_type3A_57, %cond3A_58 : i32
    scf.if %cond3A_59 {
      "tpu.region"() ({
        %run_scoped3A = tpu.sem_alloc : memref<!tpu.dma_semaphore, #tpu.memory_space<semaphore_mem>>
        %dma_start3A = arith.constant 0 : i32
        %dma_start3A_60 = arith.constant 0 : i32
        %dma_start3A_61 = tpu.memref_slice %arg7[%arg0, %dma_start3A, %dma_start3A_60] : memref<2x10000x128xf32, #tpu.memory_space<hbm>> -> memref<1x10000x128xf32, #tpu.memory_space<hbm>>
        %dma_start3A_62 = tpu.memref_squeeze %dma_start3A_61 : memref<1x10000x128xf32, #tpu.memory_space<hbm>> -> memref<10000x128xf32, #tpu.memory_space<hbm>>
        %dma_start3A_63 = arith.constant 0 : i32
        %dma_start3A_64 = arith.constant 0 : i32
        %dma_start3A_65 = tpu.memref_slice %arg13[%dma_start3A_63, %dma_start3A_64] : memref<10008x128xf32, #tpu.memory_space<vmem_shared>> -> memref<10000x128xf32, #tpu.memory_space<vmem_shared>>
        tpu.enqueue_dma source(%dma_start3A_65 : memref<10000x128xf32, #tpu.memory_space<vmem_shared>>) target(%dma_start3A_62 : memref<10000x128xf32, #tpu.memory_space<hbm>>) target_semaphore(%run_scoped3A : memref<!tpu.dma_semaphore, #tpu.memory_space<semaphore_mem>>)
        %dma_wait3A = arith.constant 0 : i32
        %dma_wait3A_66 = arith.constant 0 : i32
        %dma_wait3A_67 = tpu.memref_slice %arg7[%arg0, %dma_wait3A, %dma_wait3A_66] : memref<2x10000x128xf32, #tpu.memory_space<hbm>> -> memref<1x10000x128xf32, #tpu.memory_space<hbm>>
        %dma_wait3A_68 = tpu.memref_squeeze %dma_wait3A_67 : memref<1x10000x128xf32, #tpu.memory_space<hbm>> -> memref<10000x128xf32, #tpu.memory_space<hbm>>
        %dma_wait3A_69 = arith.constant 0 : i32
        %dma_wait3A_70 = arith.constant 0 : i32
        %dma_wait3A_71 = tpu.memref_slice %arg13[%dma_wait3A_69, %dma_wait3A_70] : memref<10008x128xf32, #tpu.memory_space<vmem_shared>> -> memref<10000x128xf32, #tpu.memory_space<vmem_shared>>
        tpu.wait_dma2 semaphore(%run_scoped3A : memref<!tpu.dma_semaphore, #tpu.memory_space<semaphore_mem>>) src(%dma_wait3A_71 : memref<10000x128xf32, #tpu.memory_space<vmem_shared>>) dst(%dma_wait3A_68 : memref<10000x128xf32, #tpu.memory_space<hbm>>)
        tpu.yield
      }) : () -> ()
      "tpu.region"() ({
        %run_scoped3A = tpu.sem_alloc : memref<!tpu.dma_semaphore, #tpu.memory_space<semaphore_mem>>
        %dma_start3A = arith.constant 0 : i32
        %dma_start3A_60 = tpu.memref_slice %arg8[%arg0, %dma_start3A] : memref<2x10112xf32, #tpu.memory_space<hbm>> -> memref<1x10112xf32, #tpu.memory_space<hbm>>
        %dma_start3A_61 = tpu.memref_squeeze %dma_start3A_60 : memref<1x10112xf32, #tpu.memory_space<hbm>> -> memref<10112xf32, #tpu.memory_space<hbm>>
        tpu.enqueue_dma source(%arg14 : memref<10112xf32, #tpu.memory_space<vmem_shared>>) target(%dma_start3A_61 : memref<10112xf32, #tpu.memory_space<hbm>>) target_semaphore(%run_scoped3A : memref<!tpu.dma_semaphore, #tpu.memory_space<semaphore_mem>>)
        %dma_wait3A = arith.constant 0 : i32
        %dma_wait3A_62 = tpu.memref_slice %arg8[%arg0, %dma_wait3A] : memref<2x10112xf32, #tpu.memory_space<hbm>> -> memref<1x10112xf32, #tpu.memory_space<hbm>>
        %dma_wait3A_63 = tpu.memref_squeeze %dma_wait3A_62 : memref<1x10112xf32, #tpu.memory_space<hbm>> -> memref<10112xf32, #tpu.memory_space<hbm>>
        tpu.wait_dma2 semaphore(%run_scoped3A : memref<!tpu.dma_semaphore, #tpu.memory_space<semaphore_mem>>) src(%arg14 : memref<10112xf32, #tpu.memory_space<vmem_shared>>) dst(%dma_wait3A_63 : memref<10112xf32, #tpu.memory_space<hbm>>)
        tpu.yield
      }) : () -> ()
    } else {
    }
    return
  }
}

#map = affine_map<(d0, d1) -> (0, 0)>
#map1 = affine_map<(d0, d1) -> (0, 0, 0)>
#map2 = affine_map<(d0, d1) -> (0)>
module attributes {stable_mosaic.version = 14 : i64} {
  func.func @body_fn(%arg0: i32, %arg1: i32, %arg2: memref<10000x128xf32, #tpu.memory_space<hbm>>, %arg3: memref<32x79x128xi32, #tpu.memory_space<hbm>>, %arg4: memref<32x79x128xi32, #tpu.memory_space<hbm>>, %arg5: memref<10008x128xf32, #tpu.memory_space<hbm>>, %arg6: memref<10112xf32, #tpu.memory_space<hbm>>, %arg7: memref<2x10000x128xf32, #tpu.memory_space<hbm>>, %arg8: memref<79x128xi32, #tpu.memory_space<vmem>>, %arg9: memref<79x128xi32, #tpu.memory_space<vmem>>, %arg10: memref<128x128xf32, #tpu.memory_space<vmem>>, %arg11: memref<128xf32, #tpu.memory_space<vmem>>, %arg12: memref<10008x128xf32, #tpu.memory_space<vmem_shared>>, %arg13: memref<10112xf32, #tpu.memory_space<vmem_shared>>, %arg14: memref<!tpu.dma_semaphore, #tpu.memory_space<semaphore_mem>>) attributes {dimension_semantics = [#tpu.dimension_semantics<core_parallel>, #tpu.dimension_semantics<subcore_parallel>], iteration_bounds = array<i64: 2, 16>, scalar_prefetch = 0 : i64, scratch_operands = 7 : i64, tpu.core_type = #tpu.core_type<sc_vector_subcore>, window_params = [{transform_indices = #map}, {transform_indices = #map1}, {transform_indices = #map1}, {transform_indices = #map}, {transform_indices = #map2}, {transform_indices = #map1}]} {
    %mul3A = arith.constant 16 : i32
    %mul3A_0 = arith.muli %arg0, %mul3A : i32
    %add3A = arith.addi %mul3A_0, %arg1 : i32
    %eq3A = arith.constant 0 : i32
    %eq3A_1 = arith.cmpi eq, %arg1, %eq3A : i32
    %convert_element_type3A = arith.extui %eq3A_1 : i1 to i32
    %cond3A = arith.constant 0 : i32
    %cond3A_2 = arith.cmpi ne, %convert_element_type3A, %cond3A : i32
    scf.if %cond3A_2 {
      "tpu.region"() ({
        %run_scoped3A = tpu.sem_alloc : memref<!tpu.dma_semaphore, #tpu.memory_space<semaphore_mem>>
        tpu.enqueue_dma source(%arg5 : memref<10008x128xf32, #tpu.memory_space<hbm>>) target(%arg12 : memref<10008x128xf32, #tpu.memory_space<vmem_shared>>) target_semaphore(%run_scoped3A : memref<!tpu.dma_semaphore, #tpu.memory_space<semaphore_mem>>)
        tpu.wait_dma2 semaphore(%run_scoped3A : memref<!tpu.dma_semaphore, #tpu.memory_space<semaphore_mem>>) src(%arg5 : memref<10008x128xf32, #tpu.memory_space<hbm>>) dst(%arg12 : memref<10008x128xf32, #tpu.memory_space<vmem_shared>>)
        tpu.yield
      }) : () -> ()
    } else {
    }
    %barrier3A = arith.constant 0 : index
    tpu.barrier barrier_id(%barrier3A)
    "tpu.region"() ({
      %run_scoped3A = tpu.sem_alloc : memref<!tpu.dma_semaphore, #tpu.memory_space<semaphore_mem>>
      %dma_start3A = arith.constant 0 : i32
      %dma_start3A_14 = arith.constant 0 : i32
      %dma_start3A_15 = tpu.memref_slice %arg3[%add3A, %dma_start3A, %dma_start3A_14] : memref<32x79x128xi32, #tpu.memory_space<hbm>> -> memref<1x79x128xi32, #tpu.memory_space<hbm>>
      %dma_start3A_16 = tpu.memref_squeeze %dma_start3A_15 : memref<1x79x128xi32, #tpu.memory_space<hbm>> -> memref<79x128xi32, #tpu.memory_space<hbm>>
      %dma_start3A_17 = arith.constant 0 : i32
      %dma_start3A_18 = arith.constant 0 : i32
      %dma_start3A_19 = tpu.memref_slice %arg3[%add3A, %dma_start3A_17, %dma_start3A_18] : memref<32x79x128xi32, #tpu.memory_space<hbm>> -> memref<1x79x128xi32, #tpu.memory_space<hbm>>
      %dma_start3A_20 = tpu.memref_squeeze %dma_start3A_19 : memref<1x79x128xi32, #tpu.memory_space<hbm>> -> memref<79x128xi32, #tpu.memory_space<hbm>>
      tpu.enqueue_dma source(%dma_start3A_20 : memref<79x128xi32, #tpu.memory_space<hbm>>) target(%arg8 : memref<79x128xi32, #tpu.memory_space<vmem>>) target_semaphore(%run_scoped3A : memref<!tpu.dma_semaphore, #tpu.memory_space<semaphore_mem>>)
      %dma_wait3A = arith.constant 0 : i32
      %dma_wait3A_21 = arith.constant 0 : i32
      %dma_wait3A_22 = tpu.memref_slice %arg3[%add3A, %dma_wait3A, %dma_wait3A_21] : memref<32x79x128xi32, #tpu.memory_space<hbm>> -> memref<1x79x128xi32, #tpu.memory_space<hbm>>
      %dma_wait3A_23 = tpu.memref_squeeze %dma_wait3A_22 : memref<1x79x128xi32, #tpu.memory_space<hbm>> -> memref<79x128xi32, #tpu.memory_space<hbm>>
      %dma_wait3A_24 = arith.constant 0 : i32
      %dma_wait3A_25 = arith.constant 0 : i32
      %dma_wait3A_26 = tpu.memref_slice %arg3[%add3A, %dma_wait3A_24, %dma_wait3A_25] : memref<32x79x128xi32, #tpu.memory_space<hbm>> -> memref<1x79x128xi32, #tpu.memory_space<hbm>>
      %dma_wait3A_27 = tpu.memref_squeeze %dma_wait3A_26 : memref<1x79x128xi32, #tpu.memory_space<hbm>> -> memref<79x128xi32, #tpu.memory_space<hbm>>
      tpu.wait_dma2 semaphore(%run_scoped3A : memref<!tpu.dma_semaphore, #tpu.memory_space<semaphore_mem>>) src(%dma_wait3A_27 : memref<79x128xi32, #tpu.memory_space<hbm>>) dst(%arg8 : memref<79x128xi32, #tpu.memory_space<vmem>>)
      tpu.yield
    }) : () -> ()
    "tpu.region"() ({
      %run_scoped3A = tpu.sem_alloc : memref<!tpu.dma_semaphore, #tpu.memory_space<semaphore_mem>>
      %dma_start3A = arith.constant 0 : i32
      %dma_start3A_14 = arith.constant 0 : i32
      %dma_start3A_15 = tpu.memref_slice %arg4[%add3A, %dma_start3A, %dma_start3A_14] : memref<32x79x128xi32, #tpu.memory_space<hbm>> -> memref<1x79x128xi32, #tpu.memory_space<hbm>>
      %dma_start3A_16 = tpu.memref_squeeze %dma_start3A_15 : memref<1x79x128xi32, #tpu.memory_space<hbm>> -> memref<79x128xi32, #tpu.memory_space<hbm>>
      %dma_start3A_17 = arith.constant 0 : i32
      %dma_start3A_18 = arith.constant 0 : i32
      %dma_start3A_19 = tpu.memref_slice %arg4[%add3A, %dma_start3A_17, %dma_start3A_18] : memref<32x79x128xi32, #tpu.memory_space<hbm>> -> memref<1x79x128xi32, #tpu.memory_space<hbm>>
      %dma_start3A_20 = tpu.memref_squeeze %dma_start3A_19 : memref<1x79x128xi32, #tpu.memory_space<hbm>> -> memref<79x128xi32, #tpu.memory_space<hbm>>
      tpu.enqueue_dma source(%dma_start3A_20 : memref<79x128xi32, #tpu.memory_space<hbm>>) target(%arg9 : memref<79x128xi32, #tpu.memory_space<vmem>>) target_semaphore(%run_scoped3A : memref<!tpu.dma_semaphore, #tpu.memory_space<semaphore_mem>>)
      %dma_wait3A = arith.constant 0 : i32
      %dma_wait3A_21 = arith.constant 0 : i32
      %dma_wait3A_22 = tpu.memref_slice %arg4[%add3A, %dma_wait3A, %dma_wait3A_21] : memref<32x79x128xi32, #tpu.memory_space<hbm>> -> memref<1x79x128xi32, #tpu.memory_space<hbm>>
      %dma_wait3A_23 = tpu.memref_squeeze %dma_wait3A_22 : memref<1x79x128xi32, #tpu.memory_space<hbm>> -> memref<79x128xi32, #tpu.memory_space<hbm>>
      %dma_wait3A_24 = arith.constant 0 : i32
      %dma_wait3A_25 = arith.constant 0 : i32
      %dma_wait3A_26 = tpu.memref_slice %arg4[%add3A, %dma_wait3A_24, %dma_wait3A_25] : memref<32x79x128xi32, #tpu.memory_space<hbm>> -> memref<1x79x128xi32, #tpu.memory_space<hbm>>
      %dma_wait3A_27 = tpu.memref_squeeze %dma_wait3A_26 : memref<1x79x128xi32, #tpu.memory_space<hbm>> -> memref<79x128xi32, #tpu.memory_space<hbm>>
      tpu.wait_dma2 semaphore(%run_scoped3A : memref<!tpu.dma_semaphore, #tpu.memory_space<semaphore_mem>>) src(%dma_wait3A_27 : memref<79x128xi32, #tpu.memory_space<hbm>>) dst(%arg9 : memref<79x128xi32, #tpu.memory_space<vmem>>)
      tpu.yield
    }) : () -> ()
    %scan3A = arith.constant 0 : i32
    %scan3A_3 = arith.constant 0 : i32
    %scan3A_4 = arith.constant 79 : i32
    %scan3A_5 = arith.addi %scan3A_3, %scan3A_4 : i32
    %scan3A_6 = arith.constant 1 : i32
    scf.for %scan3A_14 = %scan3A_3 to %scan3A_5 step %scan3A_6  : i32 {
      %dma_start3A = arith.constant 0 : i32
      %dma_start3A_15 = tpu.memref_slice %arg8[%scan3A_14, %dma_start3A] : memref<79x128xi32, #tpu.memory_space<vmem>> -> memref<1x128xi32, #tpu.memory_space<vmem>>
      %dma_start3A_16 = tpu.memref_squeeze %dma_start3A_15 : memref<1x128xi32, #tpu.memory_space<vmem>> -> memref<128xi32, #tpu.memory_space<vmem>>
      %dma_start3A_17 = arith.constant 0 : i32
      %dma_start3A_18 = arith.constant 0 : i32
      %dma_start3A_19 = tpu.memref_slice %arg2[%dma_start3A_17, %dma_start3A_18] : memref<10000x128xf32, #tpu.memory_space<hbm>> -> memref<10000x128xf32, #tpu.memory_space<hbm>>
      tpu.enqueue_indirect_dma source(%dma_start3A_19 : memref<10000x128xf32, #tpu.memory_space<hbm>>) target(%arg10 : memref<128x128xf32, #tpu.memory_space<vmem>>) offsets(%dma_start3A_16 : memref<128xi32, #tpu.memory_space<vmem>>) semaphore(%arg14 : memref<!tpu.dma_semaphore, #tpu.memory_space<semaphore_mem>>)
      %dma_wait3A = arith.constant 0 : i32
      %dma_wait3A_20 = tpu.memref_slice %arg8[%scan3A_14, %dma_wait3A] : memref<79x128xi32, #tpu.memory_space<vmem>> -> memref<1x128xi32, #tpu.memory_space<vmem>>
      %dma_wait3A_21 = tpu.memref_squeeze %dma_wait3A_20 : memref<1x128xi32, #tpu.memory_space<vmem>> -> memref<128xi32, #tpu.memory_space<vmem>>
      %dma_wait3A_22 = arith.constant 0 : i32
      %dma_wait3A_23 = arith.constant 0 : i32
      %dma_wait3A_24 = tpu.memref_slice %arg2[%dma_wait3A_22, %dma_wait3A_23] : memref<10000x128xf32, #tpu.memory_space<hbm>> -> memref<10000x128xf32, #tpu.memory_space<hbm>>
      tpu.wait_indirect_dma semaphore(%arg14 : memref<!tpu.dma_semaphore, #tpu.memory_space<semaphore_mem>>) src(%dma_wait3A_24 : memref<10000x128xf32, #tpu.memory_space<hbm>>) dst(%arg10 : memref<128x128xf32, #tpu.memory_space<vmem>>)
      "tpu.region"() ({
        %run_scoped3A = tpu.sem_alloc : memref<!tpu.dma_semaphore, #tpu.memory_space<semaphore_mem>>
        %dma_start3A_25 = arith.constant 0 : i32
        %dma_start3A_26 = tpu.memref_slice %arg9[%scan3A_14, %dma_start3A_25] : memref<79x128xi32, #tpu.memory_space<vmem>> -> memref<1x128xi32, #tpu.memory_space<vmem>>
        %dma_start3A_27 = tpu.memref_squeeze %dma_start3A_26 : memref<1x128xi32, #tpu.memory_space<vmem>> -> memref<128xi32, #tpu.memory_space<vmem>>
        %dma_start3A_28 = arith.constant 0 : i32
        %dma_start3A_29 = arith.constant 0 : i32
        %dma_start3A_30 = tpu.memref_slice %arg12[%dma_start3A_28, %dma_start3A_29] : memref<10008x128xf32, #tpu.memory_space<vmem_shared>> -> memref<10008x128xf32, #tpu.memory_space<vmem_shared>>
        tpu.enqueue_indirect_dma source(%arg10 : memref<128x128xf32, #tpu.memory_space<vmem>>) target(%dma_start3A_30 : memref<10008x128xf32, #tpu.memory_space<vmem_shared>>) offsets(%dma_start3A_27 : memref<128xi32, #tpu.memory_space<vmem>>) semaphore(%run_scoped3A : memref<!tpu.dma_semaphore, #tpu.memory_space<semaphore_mem>>) {add = true}
        %dma_wait3A_31 = arith.constant 0 : i32
        %dma_wait3A_32 = tpu.memref_slice %arg9[%scan3A_14, %dma_wait3A_31] : memref<79x128xi32, #tpu.memory_space<vmem>> -> memref<1x128xi32, #tpu.memory_space<vmem>>
        %dma_wait3A_33 = tpu.memref_squeeze %dma_wait3A_32 : memref<1x128xi32, #tpu.memory_space<vmem>> -> memref<128xi32, #tpu.memory_space<vmem>>
        %dma_wait3A_34 = arith.constant 0 : i32
        %dma_wait3A_35 = arith.constant 0 : i32
        %dma_wait3A_36 = tpu.memref_slice %arg12[%dma_wait3A_34, %dma_wait3A_35] : memref<10008x128xf32, #tpu.memory_space<vmem_shared>> -> memref<10008x128xf32, #tpu.memory_space<vmem_shared>>
        tpu.wait_indirect_dma semaphore(%run_scoped3A : memref<!tpu.dma_semaphore, #tpu.memory_space<semaphore_mem>>) src(%arg10 : memref<128x128xf32, #tpu.memory_space<vmem>>) dst(%dma_wait3A_36 : memref<10008x128xf32, #tpu.memory_space<vmem_shared>>)
        tpu.yield
      }) : () -> ()
    }
    %scan3A_7 = arith.constant 79 : i32
    %barrier3A_8 = arith.constant 0 : index
    tpu.barrier barrier_id(%barrier3A_8)
    %eq3A_9 = arith.constant 0 : i32
    %eq3A_10 = arith.cmpi eq, %arg1, %eq3A_9 : i32
    %convert_element_type3A_11 = arith.extui %eq3A_10 : i1 to i32
    %cond3A_12 = arith.constant 0 : i32
    %cond3A_13 = arith.cmpi ne, %convert_element_type3A_11, %cond3A_12 : i32
    scf.if %cond3A_13 {
      "tpu.region"() ({
        %run_scoped3A = tpu.sem_alloc : memref<!tpu.dma_semaphore, #tpu.memory_space<semaphore_mem>>
        %dma_start3A = arith.constant 0 : i32
        %dma_start3A_14 = arith.constant 0 : i32
        %dma_start3A_15 = tpu.memref_slice %arg7[%arg0, %dma_start3A, %dma_start3A_14] : memref<2x10000x128xf32, #tpu.memory_space<hbm>> -> memref<1x10000x128xf32, #tpu.memory_space<hbm>>
        %dma_start3A_16 = tpu.memref_squeeze %dma_start3A_15 : memref<1x10000x128xf32, #tpu.memory_space<hbm>> -> memref<10000x128xf32, #tpu.memory_space<hbm>>
        %dma_start3A_17 = arith.constant 0 : i32
        %dma_start3A_18 = arith.constant 0 : i32
        %dma_start3A_19 = tpu.memref_slice %arg12[%dma_start3A_17, %dma_start3A_18] : memref<10008x128xf32, #tpu.memory_space<vmem_shared>> -> memref<10000x128xf32, #tpu.memory_space<vmem_shared>>
        tpu.enqueue_dma source(%dma_start3A_19 : memref<10000x128xf32, #tpu.memory_space<vmem_shared>>) target(%dma_start3A_16 : memref<10000x128xf32, #tpu.memory_space<hbm>>) target_semaphore(%run_scoped3A : memref<!tpu.dma_semaphore, #tpu.memory_space<semaphore_mem>>)
        %dma_wait3A = arith.constant 0 : i32
        %dma_wait3A_20 = arith.constant 0 : i32
        %dma_wait3A_21 = tpu.memref_slice %arg7[%arg0, %dma_wait3A, %dma_wait3A_20] : memref<2x10000x128xf32, #tpu.memory_space<hbm>> -> memref<1x10000x128xf32, #tpu.memory_space<hbm>>
        %dma_wait3A_22 = tpu.memref_squeeze %dma_wait3A_21 : memref<1x10000x128xf32, #tpu.memory_space<hbm>> -> memref<10000x128xf32, #tpu.memory_space<hbm>>
        %dma_wait3A_23 = arith.constant 0 : i32
        %dma_wait3A_24 = arith.constant 0 : i32
        %dma_wait3A_25 = tpu.memref_slice %arg12[%dma_wait3A_23, %dma_wait3A_24] : memref<10008x128xf32, #tpu.memory_space<vmem_shared>> -> memref<10000x128xf32, #tpu.memory_space<vmem_shared>>
        tpu.wait_dma2 semaphore(%run_scoped3A : memref<!tpu.dma_semaphore, #tpu.memory_space<semaphore_mem>>) src(%dma_wait3A_25 : memref<10000x128xf32, #tpu.memory_space<vmem_shared>>) dst(%dma_wait3A_22 : memref<10000x128xf32, #tpu.memory_space<hbm>>)
        tpu.yield
      }) : () -> ()
    } else {
    }
    return
  }
}

module attributes {stable_mosaic.version = 14 : i64} {
  func.func @_mm_body(%arg0: i32, %arg1: memref<1000x128xf32, #tpu.memory_space<vmem>>, %arg2: memref<128x128xf32, #tpu.memory_space<vmem>>, %arg3: memref<1000x128xf32, #tpu.memory_space<vmem>>) attributes {dimension_semantics = [#tpu.dimension_semantics<arbitrary>], iteration_bounds = array<i64: 10>, scalar_prefetch = 0 : i64, scratch_operands = 0 : i64, tpu.core_type = #tpu.core_type<tc>, window_params = [{transform_indices = @transform_0, window_bounds = array<i64: 1000, 128>}, {pipeline_mode = #tpu.pipeline_mode<synchronous>, transform_indices = @transform_1, window_bounds = array<i64: 128, 128>}, {transform_indices = @transform_2, window_bounds = array<i64: 1000, 128>}]} {
    %get3A = arith.constant 0 : index
    %get3A_0 = arith.constant 0 : index
    %get3A_1 = vector.load %arg1[%get3A, %get3A_0] : memref<1000x128xf32, #tpu.memory_space<vmem>>, vector<1000x128xf32>
    %get3A_2 = arith.constant 0 : index
    %get3A_3 = arith.constant 0 : index
    %get3A_4 = vector.load %arg2[%get3A_2, %get3A_3] : memref<128x128xf32, #tpu.memory_space<vmem>>, vector<128x128xf32>
    %dot_general3A = arith.constant dense<0.000000e+00> : vector<1000x128xf32>
    %dot_general3A_5 = tpu.matmul %get3A_1, %get3A_4, %dot_general3A {dimension_numbers = #tpu.dot_dimension_numbers<[1], [0], [0], [1], [0, 0, 1, 1], [], []>, transpose_lhs_hint = false} : vector<1000x128xf32>, vector<128x128xf32>, vector<1000x128xf32> -> vector<1000x128xf32>
    %swap3A = arith.constant 0 : index
    %swap3A_6 = arith.constant 0 : index
    %swap3A_7 = vector.load %arg3[%swap3A, %swap3A_6] : memref<1000x128xf32, #tpu.memory_space<vmem>>, vector<1000x128xf32>
    tpu.vector_store %arg3[%swap3A, %swap3A_6], %dot_general3A_5 {strides = array<i32>} : memref<1000x128xf32, #tpu.memory_space<vmem>>, vector<1000x128xf32>,
    return
  }
  func.func @transform_0(%arg0: i32) -> (i32, i32) {
    %c0_i32 = arith.constant 0 : i32
    %c0_i32_0 = arith.constant 0 : i32
    return %arg0, %c0_i32 : i32, i32
  }
  func.func @transform_1(%arg0: i32) -> (i32, i32) {
    %c0_i32 = arith.constant 0 : i32
    %c0_i32_0 = arith.constant 0 : i32
    %c0_i32_1 = arith.constant 0 : i32
    return %c0_i32, %c0_i32_0 : i32, i32
  }
  func.func @transform_2(%arg0: i32) -> (i32, i32) {
    %c0_i32 = arith.constant 0 : i32
    %c0_i32_0 = arith.constant 0 : i32
    return %arg0, %c0_i32 : i32, i32
  }
}

module attributes {stable_mosaic.version = 14 : i64} {
  func.func @_combine_mm_body(%arg0: i32, %arg1: memref<2x1000x128xf32, #tpu.memory_space<vmem>>, %arg2: memref<1000x128xf32, #tpu.memory_space<vmem>>, %arg3: memref<2x1000x1xf32, #tpu.memory_space<vmem>>, %arg4: memref<1x128xf32, #tpu.memory_space<vmem>>, %arg5: memref<128x128xf32, #tpu.memory_space<vmem>>, %arg6: memref<1000x128xf32, #tpu.memory_space<vmem>>, %arg7: memref<1000x1xf32, #tpu.memory_space<vmem>>) attributes {dimension_semantics = [#tpu.dimension_semantics<arbitrary>], iteration_bounds = array<i64: 10>, scalar_prefetch = 0 : i64, scratch_operands = 0 : i64, tpu.core_type = #tpu.core_type<tc>, window_params = [{transform_indices = @transform_0, window_bounds = array<i64: 2, 1000, 128>}, {transform_indices = @transform_1, window_bounds = array<i64: 1000, 128>}, {transform_indices = @transform_2, window_bounds = array<i64: 2, 1000, 1>}, {pipeline_mode = #tpu.pipeline_mode<synchronous>, transform_indices = @transform_3, window_bounds = array<i64: 1, 128>}, {pipeline_mode = #tpu.pipeline_mode<synchronous>, transform_indices = @transform_4, window_bounds = array<i64: 128, 128>}, {transform_indices = @transform_5, window_bounds = array<i64: 1000, 128>}, {transform_indices = @transform_6, window_bounds = array<i64: 1000, 1>}]} {
    %get3A = arith.constant 0 : index
    %get3A_0 = arith.constant 0 : index
    %get3A_1 = arith.constant 0 : index
    %get3A_2 = vector.load %arg3[%get3A, %get3A_0, %get3A_1] : memref<2x1000x1xf32, #tpu.memory_space<vmem>>, vector<1x1000x1xf32>
    %get3A_3 = vector.shape_cast %get3A_2 : vector<1x1000x1xf32> to vector<1000x1xf32>
    %get3A_4 = arith.constant 1 : index
    %get3A_5 = arith.constant 0 : index
    %get3A_6 = arith.constant 0 : index
    %get3A_7 = vector.load %arg3[%get3A_4, %get3A_5, %get3A_6] : memref<2x1000x1xf32, #tpu.memory_space<vmem>>, vector<1x1000x1xf32>
    %get3A_8 = vector.shape_cast %get3A_7 : vector<1x1000x1xf32> to vector<1000x1xf32>
    %add3A = arith.addf %get3A_3, %get3A_8 : vector<1000x1xf32>
    %add3A_9 = arith.constant 1.000000e+00 : f32
    %add3A_10 = vector.broadcast %add3A_9 : f32 to vector<1000x1xf32>
    %add3A_11 = arith.addf %add3A, %add3A_10 : vector<1000x1xf32>
    %div3A = arith.constant 1.000000e+00 : f32
    %div3A_12 = vector.broadcast %div3A : f32 to vector<1000x1xf32>
    %div3A_13 = arith.divf %div3A_12, %add3A_11 : vector<1000x1xf32>
    %get3A_14 = arith.constant 0 : index
    %get3A_15 = arith.constant 0 : index
    %get3A_16 = arith.constant 0 : index
    %get3A_17 = vector.load %arg1[%get3A_14, %get3A_15, %get3A_16] : memref<2x1000x128xf32, #tpu.memory_space<vmem>>, vector<1x1000x128xf32>
    %get3A_18 = vector.shape_cast %get3A_17 : vector<1x1000x128xf32> to vector<1000x128xf32>
    %get3A_19 = arith.constant 1 : index
    %get3A_20 = arith.constant 0 : index
    %get3A_21 = arith.constant 0 : index
    %get3A_22 = vector.load %arg1[%get3A_19, %get3A_20, %get3A_21] : memref<2x1000x128xf32, #tpu.memory_space<vmem>>, vector<1x1000x128xf32>
    %get3A_23 = vector.shape_cast %get3A_22 : vector<1x1000x128xf32> to vector<1000x128xf32>
    %add3A_24 = arith.addf %get3A_18, %get3A_23 : vector<1000x128xf32>
    %get3A_25 = arith.constant 0 : index
    %get3A_26 = arith.constant 0 : index
    %get3A_27 = vector.load %arg2[%get3A_25, %get3A_26] : memref<1000x128xf32, #tpu.memory_space<vmem>>, vector<1000x128xf32>
    %add3A_28 = arith.addf %add3A_24, %get3A_27 : vector<1000x128xf32>
    %mul3A = vector.broadcast %div3A_13 : vector<1000x1xf32> to vector<1000x128xf32>
    %mul3A_29 = arith.mulf %add3A_28, %mul3A : vector<1000x128xf32>
    %get3A_30 = arith.constant 0 : index
    %get3A_31 = arith.constant 0 : index
    %get3A_32 = vector.load %arg4[%get3A_30, %get3A_31] : memref<1x128xf32, #tpu.memory_space<vmem>>, vector<1x128xf32>
    %add3A_33 = vector.broadcast %get3A_32 : vector<1x128xf32> to vector<1000x128xf32>
    %add3A_34 = arith.addf %mul3A_29, %add3A_33 : vector<1000x128xf32>
    %ge3A = arith.constant 0.000000e+00 : f32
    %ge3A_35 = vector.broadcast %ge3A : f32 to vector<1000x128xf32>
    %ge3A_36 = arith.cmpf oge, %add3A_34, %ge3A_35 : vector<1000x128xf32>
    %mul3A_37 = arith.constant 0.00999999977 : f32
    %mul3A_38 = vector.broadcast %mul3A_37 : f32 to vector<1000x128xf32>
    %mul3A_39 = arith.mulf %mul3A_38, %add3A_34 : vector<1000x128xf32>
    %select_n3A = arith.select %ge3A_36, %add3A_34, %mul3A_39 : vector<1000x128xi1>, vector<1000x128xf32>
    %swap3A = arith.constant 0 : index
    %swap3A_40 = arith.constant 0 : index
    %swap3A_41 = vector.load %arg7[%swap3A, %swap3A_40] : memref<1000x1xf32, #tpu.memory_space<vmem>>, vector<1000x1xf32>
    tpu.vector_store %arg7[%swap3A, %swap3A_40], %div3A_13 {strides = array<i32>} : memref<1000x1xf32, #tpu.memory_space<vmem>>, vector<1000x1xf32>,
    %get3A_42 = arith.constant 0 : index
    %get3A_43 = arith.constant 0 : index
    %get3A_44 = vector.load %arg5[%get3A_42, %get3A_43] : memref<128x128xf32, #tpu.memory_space<vmem>>, vector<128x128xf32>
    %dot_general3A = arith.constant dense<0.000000e+00> : vector<1000x128xf32>
    %dot_general3A_45 = tpu.matmul %select_n3A, %get3A_44, %dot_general3A {dimension_numbers = #tpu.dot_dimension_numbers<[1], [0], [0], [1], [0, 0, 1, 1], [], []>, transpose_lhs_hint = false} : vector<1000x128xf32>, vector<128x128xf32>, vector<1000x128xf32> -> vector<1000x128xf32>
    %swap3A_46 = arith.constant 0 : index
    %swap3A_47 = arith.constant 0 : index
    %swap3A_48 = vector.load %arg6[%swap3A_46, %swap3A_47] : memref<1000x128xf32, #tpu.memory_space<vmem>>, vector<1000x128xf32>
    tpu.vector_store %arg6[%swap3A_46, %swap3A_47], %dot_general3A_45 {strides = array<i32>} : memref<1000x128xf32, #tpu.memory_space<vmem>>, vector<1000x128xf32>,
    return
  }
  func.func @transform_0(%arg0: i32) -> (i32, i32, i32) {
    %c0_i32 = arith.constant 0 : i32
    %c0_i32_0 = arith.constant 0 : i32
    %c0_i32_1 = arith.constant 0 : i32
    return %c0_i32, %arg0, %c0_i32_0 : i32, i32, i32
  }
  func.func @transform_1(%arg0: i32) -> (i32, i32) {
    %c0_i32 = arith.constant 0 : i32
    %c0_i32_0 = arith.constant 0 : i32
    return %arg0, %c0_i32 : i32, i32
  }
  func.func @transform_2(%arg0: i32) -> (i32, i32, i32) {
    %c0_i32 = arith.constant 0 : i32
    %c0_i32_0 = arith.constant 0 : i32
    %c0_i32_1 = arith.constant 0 : i32
    return %c0_i32, %arg0, %c0_i32_0 : i32, i32, i32
  }
  func.func @transform_3(%arg0: i32) -> (i32, i32) {
    %c0_i32 = arith.constant 0 : i32
    %c0_i32_0 = arith.constant 0 : i32
    %c0_i32_1 = arith.constant 0 : i32
    return %c0_i32, %c0_i32_0 : i32, i32
  }
  func.func @transform_4(%arg0: i32) -> (i32, i32) {
    %c0_i32 = arith.constant 0 : i32
    %c0_i32_0 = arith.constant 0 : i32
    %c0_i32_1 = arith.constant 0 : i32
    return %c0_i32, %c0_i32_0 : i32, i32
  }
  func.func @transform_5(%arg0: i32) -> (i32, i32) {
    %c0_i32 = arith.constant 0 : i32
    %c0_i32_0 = arith.constant 0 : i32
    return %arg0, %c0_i32 : i32, i32
  }
  func.func @transform_6(%arg0: i32) -> (i32, i32) {
    %c0_i32 = arith.constant 0 : i32
    %c0_i32_0 = arith.constant 0 : i32
    return %arg0, %c0_i32 : i32, i32
  }
}

module attributes {stable_mosaic.version = 14 : i64} {
  func.func @_final_body(%arg0: i32, %arg1: memref<2x1000x128xf32, #tpu.memory_space<vmem>>, %arg2: memref<1000x128xf32, #tpu.memory_space<vmem>>, %arg3: memref<1000x1xf32, #tpu.memory_space<vmem>>, %arg4: memref<1x128xf32, #tpu.memory_space<vmem>>, %arg5: memref<1000x128xf32, #tpu.memory_space<vmem>>) attributes {dimension_semantics = [#tpu.dimension_semantics<arbitrary>], iteration_bounds = array<i64: 10>, scalar_prefetch = 0 : i64, scratch_operands = 0 : i64, tpu.core_type = #tpu.core_type<tc>, window_params = [{transform_indices = @transform_0, window_bounds = array<i64: 2, 1000, 128>}, {transform_indices = @transform_1, window_bounds = array<i64: 1000, 128>}, {transform_indices = @transform_2, window_bounds = array<i64: 1000, 1>}, {pipeline_mode = #tpu.pipeline_mode<synchronous>, transform_indices = @transform_3, window_bounds = array<i64: 1, 128>}, {transform_indices = @transform_4, window_bounds = array<i64: 1000, 128>}]} {
    %get3A = arith.constant 0 : index
    %get3A_0 = arith.constant 0 : index
    %get3A_1 = arith.constant 0 : index
    %get3A_2 = vector.load %arg1[%get3A, %get3A_0, %get3A_1] : memref<2x1000x128xf32, #tpu.memory_space<vmem>>, vector<1x1000x128xf32>
    %get3A_3 = vector.shape_cast %get3A_2 : vector<1x1000x128xf32> to vector<1000x128xf32>
    %get3A_4 = arith.constant 1 : index
    %get3A_5 = arith.constant 0 : index
    %get3A_6 = arith.constant 0 : index
    %get3A_7 = vector.load %arg1[%get3A_4, %get3A_5, %get3A_6] : memref<2x1000x128xf32, #tpu.memory_space<vmem>>, vector<1x1000x128xf32>
    %get3A_8 = vector.shape_cast %get3A_7 : vector<1x1000x128xf32> to vector<1000x128xf32>
    %add3A = arith.addf %get3A_3, %get3A_8 : vector<1000x128xf32>
    %get3A_9 = arith.constant 0 : index
    %get3A_10 = arith.constant 0 : index
    %get3A_11 = vector.load %arg2[%get3A_9, %get3A_10] : memref<1000x128xf32, #tpu.memory_space<vmem>>, vector<1000x128xf32>
    %add3A_12 = arith.addf %add3A, %get3A_11 : vector<1000x128xf32>
    %get3A_13 = arith.constant 0 : index
    %get3A_14 = arith.constant 0 : index
    %get3A_15 = vector.load %arg3[%get3A_13, %get3A_14] : memref<1000x1xf32, #tpu.memory_space<vmem>>, vector<1000x1xf32>
    %mul3A = vector.broadcast %get3A_15 : vector<1000x1xf32> to vector<1000x128xf32>
    %mul3A_16 = arith.mulf %add3A_12, %mul3A : vector<1000x128xf32>
    %get3A_17 = arith.constant 0 : index
    %get3A_18 = arith.constant 0 : index
    %get3A_19 = vector.load %arg4[%get3A_17, %get3A_18] : memref<1x128xf32, #tpu.memory_space<vmem>>, vector<1x128xf32>
    %add3A_20 = vector.broadcast %get3A_19 : vector<1x128xf32> to vector<1000x128xf32>
    %add3A_21 = arith.addf %mul3A_16, %add3A_20 : vector<1000x128xf32>
    %swap3A = arith.constant 0 : index
    %swap3A_22 = arith.constant 0 : index
    %swap3A_23 = vector.load %arg5[%swap3A, %swap3A_22] : memref<1000x128xf32, #tpu.memory_space<vmem>>, vector<1000x128xf32>
    tpu.vector_store %arg5[%swap3A, %swap3A_22], %add3A_21 {strides = array<i32>} : memref<1000x128xf32, #tpu.memory_space<vmem>>, vector<1000x128xf32>,
    return
  }
  func.func @transform_0(%arg0: i32) -> (i32, i32, i32) {
    %c0_i32 = arith.constant 0 : i32
    %c0_i32_0 = arith.constant 0 : i32
    %c0_i32_1 = arith.constant 0 : i32
    return %c0_i32, %arg0, %c0_i32_0 : i32, i32, i32
  }
  func.func @transform_1(%arg0: i32) -> (i32, i32) {
    %c0_i32 = arith.constant 0 : i32
    %c0_i32_0 = arith.constant 0 : i32
    return %arg0, %c0_i32 : i32, i32
  }
  func.func @transform_2(%arg0: i32) -> (i32, i32) {
    %c0_i32 = arith.constant 0 : i32
    %c0_i32_0 = arith.constant 0 : i32
    return %arg0, %c0_i32 : i32, i32
  }
  func.func @transform_3(%arg0: i32) -> (i32, i32) {
    %c0_i32 = arith.constant 0 : i32
    %c0_i32_0 = arith.constant 0 : i32
    %c0_i32_1 = arith.constant 0 : i32
    return %c0_i32, %c0_i32_0 : i32, i32
  }
  func.func @transform_4(%arg0: i32) -> (i32, i32) {
    %c0_i32 = arith.constant 0 : i32
    %c0_i32_0 = arith.constant 0 : i32
    return %arg0, %c0_i32 : i32, i32
  }
}

</mosaic_0001>

<sc_bundles>
// kernel: kernel.10.cloned.1.call-start
scs
__scs_entry_jumppad:
0x0: {  	(pc) =	sbr.rel $0x88, $3  }
0x1: {  	(tag) =	ssettag $0x0;
	lr =	simm.s32 $0x1  }
0x2: {  	[smem:$0x3F9B] =	sst lr;
	_ =	strace $0xD0000000  }
0x3: {  	_ = 	snop  }
0x4: {  	_ = 	snop  }
0x5: {  	_ = 	snop  }
0x6: {  	_ = 	snop  }
0x7: {  	_ = 	snop  }
__scs_overlays_trampoline_lowered:
0x8: {  	[smem:$0x3FAA] =	sst s0  }
0x9: {  	[smem:$0x3FAB] =	sst s1  }
0xa: {  	[smem:$0x3FAC] =	sst s2  }
0xb: {  	[smem:$0x3FAD] =	sst s3  }
0xc: {  	[smem:$0x3FAE] =	sst s4  }
0xd: {  	[smem:$0x3FAF] =	sst s5  }
0xe: {  	[smem:$0x3FB0] =	sst s6  }
0xf: {  	[smem:$0x3FB1] =	sst s7  }
0x10: {  	[smem:$0x3FB2] =	sst s8  }
0x11: {  	[smem:$0x3FB3] =	sst s9;
	s0 =	simm.s32 @!p0 $0x0  }
0x12: {  	s1 =	sld [smem:$0x3F99];
	s0 =	simm.s32 @p0 $0x1  }
0x13: {  	[smem:$0x3FB4] =	sst s0;
	s0 =	simm.s32 @!p1 $0x0  }
0x14: {  	s2 =	sld [smem:$0x3F98];
	s0 =	simm.s32 @p1 $0x1  }
0x15: {  	[smem:$0x3FB5] =	sst s0;
	s0 =	simm.s32 @!p2 $0x0  }
0x16: {  	s3 =	sld [smem:$0x3FDB];
	s0 =	simm.s32 @p2 $0x1  }
0x17: {  	s4 =	simm.s32 $0x1BF5;
	[smem:$0x3FB7] =	sst s0  }
0x18: {  	s0 =	sld [smem:$0x3F9A];
	_ =	swait.ge [sflag:s4], $0x0  }
0x19: {  	s7 =	sld [smem:$0x3F9B]  }
0x1a: {  	s8 =	sadd.s32 $0xFFFFE003, lr  }
0x1b: {  	s9 =	sadd.s32 $0xFFFFFEF7, lr;
	s5 =	simm.s32 $0xFFFFFFFF;
	p2 =	slt.u32 s8, $0xFFFFF086  }
0x1c: {  	p1 =	slt.u32 s9, $0xF7A;
	s5 =	simm.s32 @!p2 $0x0  }
0x1d: {  	s5 =	simm.s32 @p1 $0x1;
	p0 =	seq.s32 s7, s2  }
0x1e: {  	s7 =	smul.u32 @!p0 $0xF7A, s2;
	p2 =	seq.s32 @!p0 s5, $0x0  }
0x1f: {  	s9 =	smul.u32 $0xF7A, s1;
	s8 =	simm.s32 @!p0 $0x1BF5;
	p2 =	por !p2, p0  }
0x20: {  	[sflag:s8] =	ssyncset.s32 @!p0 $0xFFFFF086;
	s6 =	sadd.s32 @!p0 s3, s7;
	s7 =	simm.s32 @!p0 $0x108  }
0x21: {  	s3 =	sadd.s32 s3, s9;
	s6 =	sadd.s32 @!p0 $0x88, s6;
	s7 =	simm.s32 @p2 $0x1082  }
0x22: {  	[simem:s7], [sflag:s8] =	dma.local @!p0 [hbm:s6], $0xF7A  }
0x23: {  	s9 =	sor.u32 $0xD0000000, s2;
	s6 =	simm.s32 $0x108;
	_ =	swait.ge @!p0 [sflag:s8], $0x0  }
0x24: {  	s3 =	sadd.s32 $0x88, s3;
	s6 =	simm.s32 @!p1 $0x1082;
	[sflag:s4] =	ssyncset.s32 $0xFFFFF086  }
0x25: {  	[simem:s6], [sflag:s4] =	dma.local [hbm:s3], $0xF7A  }
0x26: {  	[smem:$0x3F9B] =	sst s1;
	(tag) =	ssettag s2;
	_ =	strace s9  }
0x27: {  	s1 =	sld [smem:$0x3FAB]  }
0x28: {  	s2 =	sld [smem:$0x3FAC]  }
0x29: {  	s4 =	sld [smem:$0x3FAE]  }
0x2a: {  	p0 =	seq.s32 s5, $0x0;
	s5 =	sld [smem:$0x3FAF]  }
0x2b: {  	s6 =	sld [smem:$0x3FB0]  }
0x2c: {  	s7 =	sld [smem:$0x3FB1]  }
0x2d: {  	s3 =	simm.s32 $0x108;
	s8 =	sld [smem:$0x3FB2]  }
0x2e: {  	s3 =	simm.s32 @!p0 $0x1082;
	s9 =	sld [smem:$0x3FB3]  }
0x2f: {  	lr =	sadd.s32 s0, s3;
	s0 =	sld [smem:$0x3FAA]  }
0x30: {  	s3 =	sld [smem:$0x3FAD]  }
0x31: {  	[smem:$0x3FB6] =	sst s10  }
0x32: {  	s10 =	sld [smem:$0x3FB4];
	_ =	sdelay $0x3  }
0x33: {  	p0 =	seq.s32 s10, $0x1;
	s10 =	sld [smem:$0x3FB6];
	_ =	sdelay $0x3  }
0x34: {  	[smem:$0x3FB6] =	sst s10  }
0x35: {  	s10 =	sld [smem:$0x3FB5];
	_ =	sdelay $0x3  }
0x36: {  	p1 =	seq.s32 s10, $0x1;
	s10 =	sld [smem:$0x3FB6];
	_ =	sdelay $0x3  }
0x37: {  	[smem:$0x3FB6] =	sst s10  }
0x38: {  	s10 =	sld [smem:$0x3FB7]  }
0x39: {  	_ = 	snop;
	(pc) =	sbr.ind lr, $3  }
0x3a: {  	_ = 	snop  }
0x3b: {  	_ = 	snop  }
0x3c: {  	p2 =	seq.s32 s10, $0x1;
	s10 =	sld [smem:$0x3FB6]  }
0x3d: {  	_ =	shalt  }
0x3e: {  	_ =	shalt  }
0x3f: {  	_ =	shalt  }
0x40: {  	_ =	shalt  }
0x41: {  	_ =	shalt  }
0x42: {  	_ =	shalt  }
0x43: {  	_ =	shalt  }
0x44: {  	_ =	shalt  }
0x45: {  	_ =	shalt  }
0x46: {  	_ =	shalt  }
0x47: {  	_ =	shalt  }
0x48: {  	_ =	shalt  }
0x49: {  	_ =	shalt  }
0x4a: {  	_ =	shalt  }
0x4b: {  	_ =	shalt  }
0x4c: {  	_ =	shalt  }
0x4d: {  	_ =	shalt  }
0x4e: {  	_ =	shalt  }
0x4f: {  	_ =	shalt  }
0x50: {  	_ =	shalt  }
0x51: {  	_ =	shalt  }
0x52: {  	_ =	shalt  }
0x53: {  	_ =	shalt  }
0x54: {  	_ =	shalt  }
0x55: {  	_ =	shalt  }
0x56: {  	_ =	shalt  }
0x57: {  	_ =	shalt  }
0x58: {  	_ =	shalt  }
0x59: {  	_ =	shalt  }
0x5a: {  	_ =	shalt  }
0x5b: {  	_ =	shalt  }
0x5c: {  	_ =	shalt  }
0x5d: {  	_ =	shalt  }
0x5e: {  	_ =	shalt  }
0x5f: {  	_ =	shalt  }
0x60: {  	_ =	shalt  }
0x61: {  	_ =	shalt  }
0x62: {  	_ =	shalt  }
0x63: {  	_ =	shalt  }
0x64: {  	_ =	shalt  }
0x65: {  	_ =	shalt  }
0x66: {  	_ =	shalt  }
0x67: {  	_ =	shalt  }
0x68: {  	_ =	shalt  }
0x69: {  	_ =	shalt  }
0x6a: {  	_ =	shalt  }
0x6b: {  	_ =	shalt  }
0x6c: {  	_ =	shalt  }
0x6d: {  	_ =	shalt  }
0x6e: {  	_ =	shalt  }
0x6f: {  	_ =	shalt  }
0x70: {  	_ =	shalt  }
0x71: {  	_ =	shalt  }
0x72: {  	_ =	shalt  }
0x73: {  	_ =	shalt  }
0x74: {  	_ =	shalt  }
0x75: {  	_ =	shalt  }
0x76: {  	_ =	shalt  }
0x77: {  	_ =	shalt  }
0x78: {  	_ =	shalt  }
0x79: {  	_ =	shalt  }
0x7a: {  	_ =	shalt  }
0x7b: {  	_ =	shalt  }
0x7c: {  	_ =	shalt  }
0x7d: {  	_ =	shalt  }
0x7e: {  	_ =	shalt  }
0x7f: {  	_ =	shalt  }
0x80: {  	_ =	shalt  }
0x81: {  	_ =	shalt  }
0x82: {  	_ =	shalt  }
0x83: {  	_ =	shalt  }
0x84: {  	_ =	shalt  }
0x85: {  	_ =	shalt  }
0x86: {  	_ =	shalt  }
0x87: {  	_ =	shalt  }
.Lfunc_end0:
.L_simem_size_0:
called_computation.1_lowered:
.L_overlay_start_0:
0x88: {  	s2 =	sld [smem:$0x3FD9]  }
0x89: {  	s3 =	sld [smem:$0x3FFE];
	_ =	sdelay $0x1  }
0x8a: {  	s1 =	srdreg.scid  }
0x8b: {  	s0 =	sand.u32 $0x1, s1  }
0x8c: {  	s17 =	sshll.u32 s0, $0xA;
	s2 =	sadd.s32 s3, s2  }
0x8d: {  	s2 =	sadd.s32 s2, s17  }
0x8e: {  	[smem:$0x3FC2] =	sst s2  }
0x8f: {  	_ = 	snop  }
0x90: {  	s2 =	sld [smem:$0x3FD0];
	(tm) =	ssettm $0x1  }
0x91: {  	s18 =	sld [smem:$0x3FFB];
	_ =	sdelay $0x3  }
0x92: {  	_ =	strace s18  }
0x93: {  	s3 =	sld [smem:$0x3FFC];
	_ =	sdelay $0x3  }
0x94: {  	_ =	strace s3  }
0x95: {  	s3 =	sld [smem:$0x3FFD];
	_ =	sdelay $0x3  }
0x96: {  	_ =	strace s3  }
0x97: {  	_ =	strace $0x8FFFFFFF  }
0x98: {  	s19 =	sld [smem:$0x3FDB];
	_ =	sdelay $0x1  }
0x99: {  	s4 =	simm.s32 $_scs_section_size  }
0x9a: {  	s5 =	simm.s32 $_size__tile_overlayer_lowered;
	s6 =	simm.s32 $_tile_overlayer_lowered  }
0x9b: {  	s22 =	simm.s32 $0x1BFF;
	s21 =	sshll.u32 s6, $0x1;
	s3 =	sadd.s32 s4, s19  }
0x9c: {  	s7 =	simm.s32 $0x0;
	s20 =	sshll.u32 s5, $0x1;
	s5 =	sadd.s32 s21, s3  }
0x9d: {  	[timem:s7], [sflag:s22] =	dma.local [hbm:s5], s20  }
0x9e: {  	_ =	swait.ge [sflag:s22], s20  }
0x9f: {  	s4 =	ssub.s32 $0x0, s20;
	[sflag:s22] =	ssyncset.done $0x0  }
0xa0: {  	[sflag:s22] =	ssyncadd.s32 s4;
	_ =	sdelay $0x1  }
0xa1: {  	s23 =	simm.s32 $0x1B8B  }
0xa2: {  	_ =	swait.ge [sflag:s23], $0x1  }
0xa3: {  	[sflag:s23] =	ssyncset.done $0x0  }
0xa4: {  	s25 =	simm.s32 $0x1B8E;
	s24 =	sld [smem:$0x3FFE];
	[sflag:s23] =	ssyncadd.s32 $0xFFFFFFFF  }
0xa5: {  	s26 =	simm.s32 $execute0_lowered;
	[smem:$0x3FD2] =	sst s25  }
0xa6: {  	s5 =	sshll.u32 s26, $0x1;
	_ =	strace $0x80000049;
	[dreg:$0x1] =	wrdreg $0xFFFFFFFF  }
0xa7: {  	s28 =	simm.s32 $_size_execute0_lowered;
	s3 =	sadd.s32 s3, s5;
	[dreg:$0x0] =	wrdreg $0x0  }
0xa8: {  	s5 =	sshll.u32 s28, $0x1;
	[dreg:$0x2] =	wrdreg s3  }
0xa9: {  	[dreg:$0x3] =	wrdreg s5  }
0xaa: {  	[dreg:$0x4] =	wrdreg $0xC0  }
0xab: {  	_ =	task [dreg:s7], $0x5FFFF  }
0xac: {  	[dreg:$0x1] =	wrdreg $0xFFFFFFFF  }
0xad: {  	[dreg:$0x0] =	wrdreg $0x60  }
0xae: {  	[dreg:$0x2] =	wrdreg s2  }
0xaf: {  	[dreg:$0x3] =	wrdreg s24  }
0xb0: {  	[dreg:$0x4] =	wrdreg $0x90000  }
0xb1: {  	[dreg:$0x5] =	wrdreg $0x9  }
0xb2: {  	_ =	task.clear_ibuf [dreg:s7], $0x6FFFF;
	_ =	strace $0x90000049  }
0xb3: {  	s29 =	simm.s32 $0x9;
	_ =	strace $0x8000004B  }
0xb4: {  	_ =	swait.ge [sflag:s29], $0x1  }
0xb5: {  	[sflag:s29] =	ssyncadd.s32 $0xFFFFFFFF  }
0xb6: {  	_ =	strace $0x9000004B  }
0xb7: {  	_ =	sfence  }
0xb8: {  	s30 =	sld [smem:$0x0];
	_ =	sdelay $0x2  }
0xb9: {  	s31 =	sshll.u32 s1, $0xD;
	s1 =	sshrl.u32 s1, $0x2  }
0xba: {  	s3 =	sand.u32 $0x4000, s31;
	s1 =	sadd.s32 s1, s30  }
0xbb: {  	s0 =	sor.u32 s3, s0;
	s1 =	sshll.u32 s1, $0x11  }
0xbc: {  	s0 =	sor.u32 s1, s0  }
0xbd: {  	s0 =	sadd.s32 $0x8F2B, s0  }
0xbe: {  	[sflag:s0] =	ssyncadd.remote.s32 $0x1  }
0xbf: {  	_ =	sfence.sel $0xFFFF  }
0xc0: {  	[dreg:$0x0] =	wrdreg $0xFFFFFFFF;
	(pc) =	sbr.abs _section_cstart, $3  }
0xc1: {  	[dreg:$0x1] =	wrdreg $0xFFFFFFFF  }
0xc2: {  	_ =	task.clear_ibuf [dreg:s7], $0x2FFFF;
	_ =	strace $0x9FFFFFFF  }
0xc3: {  	(tm) =	ssettm $0x7FFFFFFF  }
tec
execute0_lowered:
.L_overlay_start_1:
0x0: {  	(tag) =	ssettag $0x1  }
0x1: {  	s0 =	rddreg [dreg:$0x0]  }
0x2: {  	s1 =	srdreg.scid;
	s5 =	rddreg [dreg:$0x1]  }
0x3: {  	s7 =	stileid.u32;
	s2 =	rddreg [dreg:$0x2]  }
0x4: {  	s3 =	simm.s32 $0x0;
	s11 =	simm.s32 $0x2800;
	s12 =	simm.s32 $0x80  }
0x5: {  	s13 =	simm.s32 $0x5000;
	s14 =	simm.s32 $0x1;
	s15 =	simm.s32 $0x0  }
0x6: {  	s4 =	sand.u32 $0x1, s1;
	[smem:$0x7FF] =	sst s3;
	p0 =	sne.s32 s7, $0x0  }
0x7: {  	s1 =	sshll.u32 s4, $0x4;
	s8 =	smul.u32 $0x27100, s4;
	s9 =	ssub.s32 $0x2, s4  }
0x8: {  	s4 =	sadd.s32 $0x17200, s5;
	s6 =	sor.u32 s7, s1;
	s1 =	rddreg [dreg:$0x3]  }
0x9: {  	_ =	strace $0x8000004A;
	s10 =	sshrl.u32 s9, $0x1;
	s6 =	smul.u32 $0x500, s6  }
0xa: {  	s8 =	sadd.s32 s8, s5;
	s9 =	ssub.s32 s9, s10;
	s10 =	simm.s32 $0x2  }
0xb: {  	s7 =	sadd.s32 $0x3E400, s8;
	s8 =	smax.u32 s9, $0x1;
	s6 =	sadd.s32 s6, s5  }
0xc: {  	s9 =	sshrl.u32 @!p0 s2, $0x3;
	s5 =	sadd.s32 $0xCC00, s6;
	s6 =	sadd.s32 $0x2C00, s6  }
.LBB2_1:
0xd: {  	s16 =	simm.s32 @!p0 $0x1C02  }
0xe: {  	[spmem:s9], [sflag:s16] =	dma.local @!p0 [hbm:s4], $0x27180  }
0xf: {  	s16 =	simm.s32 @!p0 $0x2  }
0x10: {  	_ =	swait.ge @!p0 [sflag:s16], $0x27180  }
0x11: {  	[sflag:s16] =	ssyncset.done @!p0 $0x0  }
0x12: {  	[sflag:s16] =	ssyncadd.s32 @!p0 $0xFFFD8E80  }
0x13: {  	[bflag:$0x0] =	sbarrier.arrive $0xFFFF  }
0x14: {  	[tilespmem:s3], [sflag:$0x2] =	stream.linear.gather [hbm4b:s5+s3], $0x2780, $0x38;
	[tilespmem:$0x1C8C0] =	vst v63  }
0x15: {  	_ =	swait.ge [sflag:s10], $0x2780  }
0x16: {  	[sflag:s10] =	ssyncset.done $0x0  }
0x17: {  	[sflag:s10] =	ssyncadd.s32 $0xFFFFD880  }
0x18: {  	[tilespmem:s11], [sflag:$0x2] =	stream.linear.gather [hbm4b:s6+s3], $0x2780, $0x38;
	[tilespmem:$0x1C8C0] =	vst v63  }
0x19: {  	_ =	swait.ge [sflag:s10], $0x2780  }
0x1a: {  	[sflag:s10] =	ssyncset.done $0x0  }
0x1b: {  	s30 =	simm.s32 $0x0;
	[sflag:s10] =	ssyncadd.s32 $0xFFFFD880  }
0x1c: {  	[tilespmem:s13], [sflag:$0x1] =	stream.indirect.gather [hbm4b:s0+s12], $0x80, s30, s12, $0xb8;
	[tilespmem:$0x1C8C0] =	vst v63  }
0x1d: {  	_ =	swait.ge [sflag:s14], $0x4000  }
0x1e: {  	[sflag:s14] =	ssyncset.done $0x0  }
0x1f: {  	s31 =	simm.s32 $0x2800;
	[sflag:s14] =	ssyncadd.s32 $0xFFFFC000  }
0x20: {  	[spmem:s2] =	stream.indirect.scatter.add.f32 [tilespmem:s13], [sflag:$0x2], $0x80, s31, s12, $0xb8;
	[tilespmem:$0x1C8C0] =	vst v63  }
0x21: {  	_ =	swait.ge [sflag:s10], $0x4000  }
0x22: {  	s17 =	simm.s32 $0x400;
	s16 =	simm.s32 $0x200;
	[sflag:s10] =	ssyncset.done $0x0  }
.LBB2_2:
0x23: {  	s18 =	sshra.s32 s16, $0x2  }
0x24: {  	[sflag:s10] =	ssyncadd.s32 $0xFFFFC000;
	s16 =	smov.u32 s17;
	s19 =	sadd.s32 $0x200, s17  }
0x25: {  	[tilespmem:s13], [sflag:$0x1] =	stream.indirect.gather [hbm4b:s0+s12], $0x80, s18, s12, $0xb8;
	[tilespmem:$0x1C8C0] =	vst v63  }
0x26: {  	p1 =	sne.s32 s17, $0x9C00;
	_ =	swait.ge [sflag:s14], $0x4000  }
.Ltmp0:
0x27: {  	[sflag:s14] =	ssyncset.done $0x0;
	(pc) =	sbr.rel @p1 .LBB2_2-.Ltmp0, $4  }
0x28: {  	s17 =	sadd.s32 $0x2800, s18;
	[sflag:s14] =	ssyncadd.s32 $0xFFFFC000  }
0x29: {  	[spmem:s2] =	stream.indirect.scatter.add.f32 [tilespmem:s13], [sflag:$0x2], $0x80, s17, s12, $0xb8;
	[tilespmem:$0x1C8C0] =	vst v63  }
0x2a: {  	_ =	swait.ge [sflag:s10], $0x4000  }
0x2b: {  	s17 =	smov.u32 s19;
	[sflag:s10] =	ssyncset.done $0x0  }
0x2c: {  	s16 =	sshra.s32 s16, $0x2;
	[sflag:s10] =	ssyncadd.s32 $0xFFFFC000  }
0x2d: {  	[tilespmem:s13], [sflag:$0x1] =	stream.indirect.gather [hbm4b:s0+s12], $0x80, s16, s12, $0xb8;
	[tilespmem:$0x1C8C0] =	vst v63  }
0x2e: {  	_ =	swait.ge [sflag:s14], $0x4000  }
0x2f: {  	[sflag:s14] =	ssyncset.done $0x0  }
0x30: {  	s16 =	sadd.s32 $0x2800, s16;
	[sflag:s14] =	ssyncadd.s32 $0xFFFFC000  }
0x31: {  	[spmem:s2] =	stream.indirect.scatter.add.f32 [tilespmem:s13], [sflag:$0x2], $0x80, s16, s12, $0xb8;
	[tilespmem:$0x1C8C0] =	vst v63  }
0x32: {  	_ =	swait.ge [sflag:s10], $0x4000  }
0x33: {  	[sflag:s10] =	ssyncset.done $0x0  }
0x34: {  	s15 =	sadd.s32 $0x1, s15;
	[sflag:s10] =	ssyncadd.s32 $0xFFFFC000  }
0x35: {  	p1 =	sne.s32 s15, s8;
	s16 =	simm.s32 @!p0 $0x1C02;
	[bflag:$0x0] =	sbarrier.arrive $0xFFFF  }
0x36: {  	[hbm:s7], [sflag:s16] =	dma.local @!p0 [spmem:s9], $0x27100  }
.Ltmp1:
0x37: {  	_ = 	snop;
	(pc) =	sbr.rel @p1 .LBB2_1-.Ltmp1, $4  }
0x38: {  	s16 =	simm.s32 @!p0 $0x2  }
0x39: {  	_ =	swait.ge @!p0 [sflag:s16], $0x27100  }
0x3a: {  	[sflag:s16] =	ssyncset.done @!p0 $0x0  }
0x3b: {  	[sflag:s16] =	ssyncadd.s32 @!p0 $0xFFFD8F00  }
0x3c: {  	_ =	sfence.sel $0x180000  }
0x3d: {  	[bflag:$0x0] =	sbarrier.arrive $0xFFFF  }
0x3e: {  	_ =	strace $0x9000004A  }
0x3f: {  	s0 =	sadd.s32 @!p0 $0x100000, s1;
	[bflag:$0x2] =	sbarrier.arrive $0xFFFF  }
0x40: {  	[sflag:s0] =	ssyncadd.tile.s32 @!p0 $0x1;
	_ =	shalt  }
.Lfunc_end2:
_tile_overlayer_lowered:
.L_overlay_start_2:
0x41: {  	(tag) =	ssettag $0x2  }
0x42: {  	s0 =	rddreg [dreg:$0x0];
	s2 =	stileid.u32  }
0x43: {  	s1 =	rddreg [dreg:$0x1];
	p0 =	sne.s32 s2, $0x0  }
0x44: {  	s3 =	rddreg [dreg:$0x2];
	[bflag:$0x3] =	sbarrier.arrive $0xFFFF;
	s2 =	simm.s32 @!p0 $0x1C02  }
0x45: {  	[timem:s3], [sflag:s2] =	dma.local @!p0 [hbm:s0], s1  }
0x46: {  	s0 =	simm.s32 @!p0 $0x2  }
0x47: {  	_ =	swait.ge @!p0 [sflag:s0], s1  }
0x48: {  	s1 =	ssub.s32 @!p0 $0x0, s1;
	[sflag:s0] =	ssyncset.done @!p0 $0x0  }
0x49: {  	[sflag:s0] =	ssyncadd.s32 @!p0 s1  }
0x4a: {  	[bflag:$0x3] =	sbarrier.arrive $0xFFFF  }
0x4b: {  	_ =	shalt  }

// kernel: kernel.7.cloned.1.call-start
scs
__scs_entry_jumppad:
0x0: {  	(pc) =	sbr.rel $0x88, $3  }
0x1: {  	(tag) =	ssettag $0x0;
	lr =	simm.s32 $0x1  }
0x2: {  	[smem:$0x3F9B] =	sst lr;
	_ =	strace $0xD0000000  }
0x3: {  	_ = 	snop  }
0x4: {  	_ = 	snop  }
0x5: {  	_ = 	snop  }
0x6: {  	_ = 	snop  }
0x7: {  	_ = 	snop  }
__scs_overlays_trampoline_lowered:
0x8: {  	[smem:$0x3FAA] =	sst s0  }
0x9: {  	[smem:$0x3FAB] =	sst s1  }
0xa: {  	[smem:$0x3FAC] =	sst s2  }
0xb: {  	[smem:$0x3FAD] =	sst s3  }
0xc: {  	[smem:$0x3FAE] =	sst s4  }
0xd: {  	[smem:$0x3FAF] =	sst s5  }
0xe: {  	[smem:$0x3FB0] =	sst s6  }
0xf: {  	[smem:$0x3FB1] =	sst s7  }
0x10: {  	[smem:$0x3FB2] =	sst s8  }
0x11: {  	[smem:$0x3FB3] =	sst s9;
	s0 =	simm.s32 @!p0 $0x0  }
0x12: {  	s1 =	sld [smem:$0x3F99];
	s0 =	simm.s32 @p0 $0x1  }
0x13: {  	[smem:$0x3FB4] =	sst s0;
	s0 =	simm.s32 @!p1 $0x0  }
0x14: {  	s2 =	sld [smem:$0x3F98];
	s0 =	simm.s32 @p1 $0x1  }
0x15: {  	[smem:$0x3FB5] =	sst s0;
	s0 =	simm.s32 @!p2 $0x0  }
0x16: {  	s3 =	sld [smem:$0x3FDB];
	s0 =	simm.s32 @p2 $0x1  }
0x17: {  	s4 =	simm.s32 $0x1BF5;
	[smem:$0x3FB7] =	sst s0  }
0x18: {  	s0 =	sld [smem:$0x3F9A];
	_ =	swait.ge [sflag:s4], $0x0  }
0x19: {  	s7 =	sld [smem:$0x3F9B]  }
0x1a: {  	s8 =	sadd.s32 $0xFFFFE003, lr  }
0x1b: {  	s9 =	sadd.s32 $0xFFFFFEF7, lr;
	s5 =	simm.s32 $0xFFFFFFFF;
	p2 =	slt.u32 s8, $0xFFFFF086  }
0x1c: {  	p1 =	slt.u32 s9, $0xF7A;
	s5 =	simm.s32 @!p2 $0x0  }
0x1d: {  	s5 =	simm.s32 @p1 $0x1;
	p0 =	seq.s32 s7, s2  }
0x1e: {  	s7 =	smul.u32 @!p0 $0xF7A, s2;
	p2 =	seq.s32 @!p0 s5, $0x0  }
0x1f: {  	s9 =	smul.u32 $0xF7A, s1;
	s8 =	simm.s32 @!p0 $0x1BF5;
	p2 =	por !p2, p0  }
0x20: {  	[sflag:s8] =	ssyncset.s32 @!p0 $0xFFFFF086;
	s6 =	sadd.s32 @!p0 s3, s7;
	s7 =	simm.s32 @!p0 $0x108  }
0x21: {  	s3 =	sadd.s32 s3, s9;
	s6 =	sadd.s32 @!p0 $0x88, s6;
	s7 =	simm.s32 @p2 $0x1082  }
0x22: {  	[simem:s7], [sflag:s8] =	dma.local @!p0 [hbm:s6], $0xF7A  }
0x23: {  	s9 =	sor.u32 $0xD0000000, s2;
	s6 =	simm.s32 $0x108;
	_ =	swait.ge @!p0 [sflag:s8], $0x0  }
0x24: {  	s3 =	sadd.s32 $0x88, s3;
	s6 =	simm.s32 @!p1 $0x1082;
	[sflag:s4] =	ssyncset.s32 $0xFFFFF086  }
0x25: {  	[simem:s6], [sflag:s4] =	dma.local [hbm:s3], $0xF7A  }
0x26: {  	[smem:$0x3F9B] =	sst s1;
	(tag) =	ssettag s2;
	_ =	strace s9  }
0x27: {  	s1 =	sld [smem:$0x3FAB]  }
0x28: {  	s2 =	sld [smem:$0x3FAC]  }
0x29: {  	s4 =	sld [smem:$0x3FAE]  }
0x2a: {  	p0 =	seq.s32 s5, $0x0;
	s5 =	sld [smem:$0x3FAF]  }
0x2b: {  	s6 =	sld [smem:$0x3FB0]  }
0x2c: {  	s7 =	sld [smem:$0x3FB1]  }
0x2d: {  	s3 =	simm.s32 $0x108;
	s8 =	sld [smem:$0x3FB2]  }
0x2e: {  	s3 =	simm.s32 @!p0 $0x1082;
	s9 =	sld [smem:$0x3FB3]  }
0x2f: {  	lr =	sadd.s32 s0, s3;
	s0 =	sld [smem:$0x3FAA]  }
0x30: {  	s3 =	sld [smem:$0x3FAD]  }
0x31: {  	[smem:$0x3FB6] =	sst s10  }
0x32: {  	s10 =	sld [smem:$0x3FB4];
	_ =	sdelay $0x3  }
0x33: {  	p0 =	seq.s32 s10, $0x1;
	s10 =	sld [smem:$0x3FB6];
	_ =	sdelay $0x3  }
0x34: {  	[smem:$0x3FB6] =	sst s10  }
0x35: {  	s10 =	sld [smem:$0x3FB5];
	_ =	sdelay $0x3  }
0x36: {  	p1 =	seq.s32 s10, $0x1;
	s10 =	sld [smem:$0x3FB6];
	_ =	sdelay $0x3  }
0x37: {  	[smem:$0x3FB6] =	sst s10  }
0x38: {  	s10 =	sld [smem:$0x3FB7]  }
0x39: {  	_ = 	snop;
	(pc) =	sbr.ind lr, $3  }
0x3a: {  	_ = 	snop  }
0x3b: {  	_ = 	snop  }
0x3c: {  	p2 =	seq.s32 s10, $0x1;
	s10 =	sld [smem:$0x3FB6]  }
0x3d: {  	_ =	shalt  }
0x3e: {  	_ =	shalt  }
0x3f: {  	_ =	shalt  }
0x40: {  	_ =	shalt  }
0x41: {  	_ =	shalt  }
0x42: {  	_ =	shalt  }
0x43: {  	_ =	shalt  }
0x44: {  	_ =	shalt  }
0x45: {  	_ =	shalt  }
0x46: {  	_ =	shalt  }
0x47: {  	_ =	shalt  }
0x48: {  	_ =	shalt  }
0x49: {  	_ =	shalt  }
0x4a: {  	_ =	shalt  }
0x4b: {  	_ =	shalt  }
0x4c: {  	_ =	shalt  }
0x4d: {  	_ =	shalt  }
0x4e: {  	_ =	shalt  }
0x4f: {  	_ =	shalt  }
0x50: {  	_ =	shalt  }
0x51: {  	_ =	shalt  }
0x52: {  	_ =	shalt  }
0x53: {  	_ =	shalt  }
0x54: {  	_ =	shalt  }
0x55: {  	_ =	shalt  }
0x56: {  	_ =	shalt  }
0x57: {  	_ =	shalt  }
0x58: {  	_ =	shalt  }
0x59: {  	_ =	shalt  }
0x5a: {  	_ =	shalt  }
0x5b: {  	_ =	shalt  }
0x5c: {  	_ =	shalt  }
0x5d: {  	_ =	shalt  }
0x5e: {  	_ =	shalt  }
0x5f: {  	_ =	shalt  }
0x60: {  	_ =	shalt  }
0x61: {  	_ =	shalt  }
0x62: {  	_ =	shalt  }
0x63: {  	_ =	shalt  }
0x64: {  	_ =	shalt  }
0x65: {  	_ =	shalt  }
0x66: {  	_ =	shalt  }
0x67: {  	_ =	shalt  }
0x68: {  	_ =	shalt  }
0x69: {  	_ =	shalt  }
0x6a: {  	_ =	shalt  }
0x6b: {  	_ =	shalt  }
0x6c: {  	_ =	shalt  }
0x6d: {  	_ =	shalt  }
0x6e: {  	_ =	shalt  }
0x6f: {  	_ =	shalt  }
0x70: {  	_ =	shalt  }
0x71: {  	_ =	shalt  }
0x72: {  	_ =	shalt  }
0x73: {  	_ =	shalt  }
0x74: {  	_ =	shalt  }
0x75: {  	_ =	shalt  }
0x76: {  	_ =	shalt  }
0x77: {  	_ =	shalt  }
0x78: {  	_ =	shalt  }
0x79: {  	_ =	shalt  }
0x7a: {  	_ =	shalt  }
0x7b: {  	_ =	shalt  }
0x7c: {  	_ =	shalt  }
0x7d: {  	_ =	shalt  }
0x7e: {  	_ =	shalt  }
0x7f: {  	_ =	shalt  }
0x80: {  	_ =	shalt  }
0x81: {  	_ =	shalt  }
0x82: {  	_ =	shalt  }
0x83: {  	_ =	shalt  }
0x84: {  	_ =	shalt  }
0x85: {  	_ =	shalt  }
0x86: {  	_ =	shalt  }
0x87: {  	_ =	shalt  }
.Lfunc_end0:
.L_simem_size_0:
called_computation_lowered:
.L_overlay_start_0:
0x88: {  	s2 =	sld [smem:$0x3FD9]  }
0x89: {  	s3 =	sld [smem:$0x3FFE];
	_ =	sdelay $0x1  }
0x8a: {  	s1 =	srdreg.scid  }
0x8b: {  	s0 =	sand.u32 $0x1, s1  }
0x8c: {  	s17 =	sshll.u32 s0, $0xA;
	s2 =	sadd.s32 s3, s2  }
0x8d: {  	s2 =	sadd.s32 s2, s17  }
0x8e: {  	[smem:$0x3FC2] =	sst s2  }
0x8f: {  	_ = 	snop  }
0x90: {  	s2 =	sld [smem:$0x3FD0];
	(tm) =	ssettm $0x1  }
0x91: {  	s18 =	sld [smem:$0x3FFB];
	_ =	sdelay $0x3  }
0x92: {  	_ =	strace s18  }
0x93: {  	s3 =	sld [smem:$0x3FFC];
	_ =	sdelay $0x3  }
0x94: {  	_ =	strace s3  }
0x95: {  	s3 =	sld [smem:$0x3FFD];
	_ =	sdelay $0x3  }
0x96: {  	_ =	strace s3  }
0x97: {  	_ =	strace $0x8FFFFFFF  }
0x98: {  	s19 =	sld [smem:$0x3FDB];
	_ =	sdelay $0x1  }
0x99: {  	s4 =	simm.s32 $_scs_section_size  }
0x9a: {  	s5 =	simm.s32 $_size__tile_overlayer_lowered;
	s6 =	simm.s32 $_tile_overlayer_lowered  }
0x9b: {  	s22 =	simm.s32 $0x1BFF;
	s21 =	sshll.u32 s6, $0x1;
	s3 =	sadd.s32 s4, s19  }
0x9c: {  	s7 =	simm.s32 $0x0;
	s20 =	sshll.u32 s5, $0x1;
	s5 =	sadd.s32 s21, s3  }
0x9d: {  	[timem:s7], [sflag:s22] =	dma.local [hbm:s5], s20  }
0x9e: {  	_ =	swait.ge [sflag:s22], s20  }
0x9f: {  	s4 =	ssub.s32 $0x0, s20;
	[sflag:s22] =	ssyncset.done $0x0  }
0xa0: {  	[sflag:s22] =	ssyncadd.s32 s4;
	_ =	sdelay $0x1  }
0xa1: {  	s23 =	simm.s32 $0x1B8B  }
0xa2: {  	_ =	swait.ge [sflag:s23], $0x1  }
0xa3: {  	[sflag:s23] =	ssyncset.done $0x0  }
0xa4: {  	s25 =	simm.s32 $0x1B8E;
	s24 =	sld [smem:$0x3FFE];
	[sflag:s23] =	ssyncadd.s32 $0xFFFFFFFF  }
0xa5: {  	s26 =	simm.s32 $execute0_lowered;
	[smem:$0x3FD2] =	sst s25  }
0xa6: {  	s5 =	sshll.u32 s26, $0x1;
	_ =	strace $0x80000046;
	[dreg:$0x1] =	wrdreg $0xFFFFFFFF  }
0xa7: {  	s28 =	simm.s32 $_size_execute0_lowered;
	s3 =	sadd.s32 s3, s5;
	[dreg:$0x0] =	wrdreg $0x0  }
0xa8: {  	s5 =	sshll.u32 s28, $0x1;
	[dreg:$0x2] =	wrdreg s3  }
0xa9: {  	[dreg:$0x3] =	wrdreg s5  }
0xaa: {  	[dreg:$0x4] =	wrdreg $0xC0  }
0xab: {  	_ =	task [dreg:s7], $0x5FFFF  }
0xac: {  	[dreg:$0x1] =	wrdreg $0xFFFFFFFF  }
0xad: {  	[dreg:$0x0] =	wrdreg $0x60  }
0xae: {  	[dreg:$0x2] =	wrdreg s2  }
0xaf: {  	[dreg:$0x3] =	wrdreg s24  }
0xb0: {  	[dreg:$0x4] =	wrdreg $0x90800  }
0xb1: {  	[dreg:$0x5] =	wrdreg $0x1C9400  }
0xb2: {  	[dreg:$0x6] =	wrdreg $0x9  }
0xb3: {  	_ =	task.clear_ibuf [dreg:s7], $0x7FFFF;
	_ =	strace $0x90000046  }
0xb4: {  	s29 =	simm.s32 $0x9;
	_ =	strace $0x80000048  }
0xb5: {  	_ =	swait.ge [sflag:s29], $0x1  }
0xb6: {  	[sflag:s29] =	ssyncadd.s32 $0xFFFFFFFF  }
0xb7: {  	_ =	strace $0x90000048  }
0xb8: {  	_ =	sfence  }
0xb9: {  	s30 =	sld [smem:$0x0];
	_ =	sdelay $0x2  }
0xba: {  	s31 =	sshll.u32 s1, $0xD;
	s1 =	sshrl.u32 s1, $0x2  }
0xbb: {  	s3 =	sand.u32 $0x4000, s31;
	s1 =	sadd.s32 s1, s30  }
0xbc: {  	s0 =	sor.u32 s3, s0;
	s1 =	sshll.u32 s1, $0x11  }
0xbd: {  	s0 =	sor.u32 s1, s0  }
0xbe: {  	s0 =	sadd.s32 $0x8F2B, s0  }
0xbf: {  	[sflag:s0] =	ssyncadd.remote.s32 $0x1  }
0xc0: {  	_ =	sfence.sel $0xFFFF  }
0xc1: {  	[dreg:$0x0] =	wrdreg $0xFFFFFFFF;
	(pc) =	sbr.abs _section_cstart, $3  }
0xc2: {  	[dreg:$0x1] =	wrdreg $0xFFFFFFFF  }
0xc3: {  	_ =	task.clear_ibuf [dreg:s7], $0x2FFFF;
	_ =	strace $0x9FFFFFFF  }
0xc4: {  	(tm) =	ssettm $0x7FFFFFFF  }
0xc5: {  	_ =	shalt  }
tec
execute0_lowered:
.L_overlay_start_1:
0x0: {  	(tag) =	ssettag $0x1  }
0x1: {  	s0 =	rddreg [dreg:$0x0]  }
0x2: {  	s7 =	rddreg [dreg:$0x1]  }
0x3: {  	s2 =	rddreg [dreg:$0x2]  }
0x4: {  	s1 =	srdreg.scid;
	s3 =	rddreg [dreg:$0x3]  }
0x5: {  	s12 =	stileid.u32;
	s4 =	simm.s32 $0x0;
	s15 =	simm.s32 $0x2800  }
0x6: {  	s16 =	simm.s32 $0x80;
	s17 =	simm.s32 $0x5000;
	s18 =	simm.s32 $0x1  }
0x7: {  	s19 =	simm.s32 $0x9000;
	s5 =	sand.u32 $0x1, s1;
	s1 =	rddreg [dreg:$0x4]  }
0x8: {  	s20 =	simm.s32 $0x0;
	[smem:$0x7FF] =	sst s4;
	p0 =	sne.s32 s12, $0x0  }
0x9: {  	s8 =	sshll.u32 s5, $0x4;
	_ =	strace $0x80000047;
	s10 =	smul.u32 $0x27100, s5  }
0xa: {  	s11 =	ssub.s32 $0x2, s5;
	s5 =	sadd.s32 $0x17200, s7;
	s6 =	sor.u32 s12, s8  }
0xb: {  	s13 =	sshrl.u32 s11, $0x1;
	s14 =	sadd.s32 s8, s7;
	s6 =	smul.u32 $0x500, s6  }
0xc: {  	s12 =	sshrl.u32 @!p0 s2, $0x3;
	s10 =	sadd.s32 s10, s7;
	s11 =	ssub.s32 s11, s13  }
0xd: {  	s13 =	sshrl.u32 @!p0 s3, $0x3;
	s11 =	smax.u32 s11, $0x1;
	s9 =	sadd.s32 s6, s7  }
0xe: {  	s6 =	sadd.s32 $0x16C00, s7;
	s7 =	sadd.s32 $0xCC00, s9;
	s8 =	sadd.s32 $0x2C00, s9  }
0xf: {  	v0 =	vimm.f32 $1.000000000e+00;
	s9 =	sadd.s32 $0x3EE00, s10;
	s10 =	sadd.s32 $0x3E400, s14;
	s14 =	simm.s32 $0x2  }
.LBB2_1:
0x10: {  	s21 =	simm.s32 @!p0 $0x1C02;
	s22 =	simm.s32 @!p0 $0x2  }
0x11: {  	[spmem:s12], [sflag:s21] =	dma.local @!p0 [hbm:s5], $0x27180  }
0x12: {  	_ =	swait.ge @!p0 [sflag:s22], $0x27180  }
0x13: {  	[sflag:s22] =	ssyncset.done @!p0 $0x0  }
0x14: {  	[sflag:s22] =	ssyncadd.s32 @!p0 $0xFFFD8E80  }
0x15: {  	[spmem:s13], [sflag:s21] =	dma.local @!p0 [hbm:s6], $0x4F0  }
0x16: {  	_ =	swait.ge @!p0 [sflag:s22], $0x4F0  }
0x17: {  	[sflag:s22] =	ssyncset.done @!p0 $0x0  }
0x18: {  	[sflag:s22] =	ssyncadd.s32 @!p0 $0xFFFFFB10  }
0x19: {  	[bflag:$0x0] =	sbarrier.arrive $0xFFFF  }
0x1a: {  	[tilespmem:s4], [sflag:$0x2] =	stream.linear.gather [hbm4b:s7+s4], $0x2780, $0x38;
	[tilespmem:$0x1CBB8] =	vst v63  }
0x1b: {  	_ =	swait.ge [sflag:s14], $0x2780  }
0x1c: {  	[sflag:s14] =	ssyncset.done $0x0  }
0x1d: {  	[sflag:s14] =	ssyncadd.s32 $0xFFFFD880  }
0x1e: {  	[tilespmem:s15], [sflag:$0x2] =	stream.linear.gather [hbm4b:s8+s4], $0x2780, $0x38;
	[tilespmem:$0x1CBB8] =	vst v63  }
0x1f: {  	_ =	swait.ge [sflag:s14], $0x2780  }
0x20: {  	[sflag:s14] =	ssyncset.done $0x0  }
0x21: {  	[sflag:s14] =	ssyncadd.s32 $0xFFFFD880  }
0x22: {  	[tilespmem:$0x9000] =	vst v0  }
0x23: {  	[tilespmem:$0x9010] =	vst v0  }
0x24: {  	[tilespmem:$0x9020] =	vst v0  }
0x25: {  	[tilespmem:$0x9030] =	vst v0  }
0x26: {  	[tilespmem:$0x9040] =	vst v0  }
0x27: {  	[tilespmem:$0x9050] =	vst v0  }
0x28: {  	[tilespmem:$0x9060] =	vst v0  }
0x29: {  	s30 =	simm.s32 $0x0;
	[tilespmem:$0x9070] =	vst v0  }
0x2a: {  	[tilespmem:s17], [sflag:$0x1] =	stream.indirect.gather [hbm4b:s0+s16], $0x80, s30, s16, $0xb8;
	[tilespmem:$0x1CBB8] =	vst v63  }
0x2b: {  	_ =	swait.ge [sflag:s18], $0x4000  }
0x2c: {  	[sflag:s18] =	ssyncset.done $0x0  }
0x2d: {  	s31 =	simm.s32 $0x2800;
	[sflag:s18] =	ssyncadd.s32 $0xFFFFC000  }
0x2e: {  	[spmem:s2] =	stream.indirect.scatter.add.f32 [tilespmem:s17], [sflag:$0x2], $0x80, s31, s16, $0xb8;
	[tilespmem:$0x1CBB8] =	vst v63  }
0x2f: {  	_ =	swait.ge [sflag:s14], $0x4000  }
0x30: {  	[sflag:s14] =	ssyncset.done $0x0  }
0x31: {  	[sflag:s14] =	ssyncadd.s32 $0xFFFFC000  }
0x32: {  	[spmem:s3] =	stream.indirect.scatter.add.f32 [tilespmem:s19], [sflag:$0x2], $0x1, s31, s16, $0xb8;
	[tilespmem:$0x1CBB8] =	vst v63  }
0x33: {  	_ =	swait.ge [sflag:s14], $0x80  }
0x34: {  	s21 =	simm.s32 $0x200;
	s22 =	simm.s32 $0x400;
	[sflag:s14] =	ssyncset.done $0x0  }
.LBB2_2:
0x35: {  	s23 =	sshra.s32 s21, $0x2  }
0x36: {  	[sflag:s14] =	ssyncadd.s32 $0xFFFFFF80;
	s21 =	smov.u32 s22;
	s24 =	sadd.s32 $0x200, s22  }
0x37: {  	[tilespmem:s17], [sflag:$0x1] =	stream.indirect.gather [hbm4b:s0+s16], $0x80, s23, s16, $0xb8;
	[tilespmem:$0x1CBB8] =	vst v63  }
0x38: {  	p1 =	sne.s32 s22, $0x9C00;
	_ =	swait.ge [sflag:s18], $0x4000  }
0x39: {  	[sflag:s18] =	ssyncset.done $0x0  }
0x3a: {  	s22 =	sadd.s32 $0x2800, s23;
	[sflag:s18] =	ssyncadd.s32 $0xFFFFC000  }
0x3b: {  	[spmem:s2] =	stream.indirect.scatter.add.f32 [tilespmem:s17], [sflag:$0x2], $0x80, s22, s16, $0xb8;
	[tilespmem:$0x1CBB8] =	vst v63  }
0x3c: {  	_ =	swait.ge [sflag:s14], $0x4000  }
.Ltmp0:
0x3d: {  	[sflag:s14] =	ssyncset.done $0x0;
	(pc) =	sbr.rel @p1 .LBB2_2-.Ltmp0, $4  }
0x3e: {  	[sflag:s14] =	ssyncadd.s32 $0xFFFFC000  }
0x3f: {  	[spmem:s3] =	stream.indirect.scatter.add.f32 [tilespmem:s19], [sflag:$0x2], $0x1, s22, s16, $0xb8;
	[tilespmem:$0x1CBB8] =	vst v63  }
0x40: {  	_ =	swait.ge [sflag:s14], $0x80  }
0x41: {  	s22 =	smov.u32 s24;
	[sflag:s14] =	ssyncset.done $0x0  }
0x42: {  	s21 =	sshra.s32 s21, $0x2;
	[sflag:s14] =	ssyncadd.s32 $0xFFFFFF80  }
0x43: {  	[tilespmem:s17], [sflag:$0x1] =	stream.indirect.gather [hbm4b:s0+s16], $0x80, s21, s16, $0xb8;
	[tilespmem:$0x1CBB8] =	vst v63  }
0x44: {  	_ =	swait.ge [sflag:s18], $0x4000  }
0x45: {  	[sflag:s18] =	ssyncset.done $0x0  }
0x46: {  	s21 =	sadd.s32 $0x2800, s21;
	[sflag:s18] =	ssyncadd.s32 $0xFFFFC000  }
0x47: {  	[spmem:s2] =	stream.indirect.scatter.add.f32 [tilespmem:s17], [sflag:$0x2], $0x80, s21, s16, $0xb8;
	[tilespmem:$0x1CBB8] =	vst v63  }
0x48: {  	_ =	swait.ge [sflag:s14], $0x4000  }
0x49: {  	[sflag:s14] =	ssyncset.done $0x0  }
0x4a: {  	[sflag:s14] =	ssyncadd.s32 $0xFFFFC000  }
0x4b: {  	[spmem:s3] =	stream.indirect.scatter.add.f32 [tilespmem:s19], [sflag:$0x2], $0x1, s21, s16, $0xb8;
	[tilespmem:$0x1CBB8] =	vst v63  }
0x4c: {  	_ =	swait.ge [sflag:s14], $0x80  }
0x4d: {  	[sflag:s14] =	ssyncset.done $0x0  }
0x4e: {  	[sflag:s14] =	ssyncadd.s32 $0xFFFFFF80  }
0x4f: {  	s22 =	simm.s32 @!p0 $0x2;
	s21 =	simm.s32 @!p0 $0x1C02;
	[bflag:$0x0] =	sbarrier.arrive $0xFFFF  }
0x50: {  	[hbm:s9], [sflag:s21] =	dma.local @!p0 [spmem:s12], $0x27100  }
0x51: {  	s23 =	simm.s32 @!p0 $0x1;
	s20 =	sadd.s32 $0x1, s20;
	_ =	swait.ge @!p0 [sflag:s22], $0x27100  }
0x52: {  	s24 =	simm.s32 @!p0 $0x20;
	p1 =	sne.s32 s20, s11;
	[sflag:s22] =	ssyncset.done @!p0 $0x0  }
.Ltmp1:
0x53: {  	s25 =	simm.s32 @!p0 $0x10;
	[sflag:s22] =	ssyncadd.s32 @!p0 $0xFFFD8F00;
	(pc) =	sbr.rel @p1 .LBB2_1-.Ltmp1, $4  }
0x54: {  	[hbm:s10@s24], [sflag:s21] =	dma.strided @!p0 [spmem:s13@s25], $0x4F0, s23, $0x10   }
0x55: {  	_ =	swait.ge @!p0 [sflag:s22], $0x4F0  }
0x56: {  	[sflag:s22] =	ssyncset.done @!p0 $0x0  }
0x57: {  	[sflag:s22] =	ssyncadd.s32 @!p0 $0xFFFFFB10  }
0x58: {  	_ =	sfence.sel $0x180000  }
0x59: {  	[bflag:$0x0] =	sbarrier.arrive $0xFFFF  }
0x5a: {  	_ =	strace $0x90000047  }
0x5b: {  	s0 =	sadd.s32 @!p0 $0x100000, s1;
	[bflag:$0x2] =	sbarrier.arrive $0xFFFF  }
0x5c: {  	[sflag:s0] =	ssyncadd.tile.s32 @!p0 $0x1;
	_ =	shalt  }
.Lfunc_end2:
_tile_overlayer_lowered:
.L_overlay_start_2:
0x5d: {  	(tag) =	ssettag $0x2  }
0x5e: {  	s0 =	rddreg [dreg:$0x0];
	s2 =	stileid.u32  }
0x5f: {  	s1 =	rddreg [dreg:$0x1];
	p0 =	sne.s32 s2, $0x0  }
0x60: {  	s3 =	rddreg [dreg:$0x2];
	[bflag:$0x3] =	sbarrier.arrive $0xFFFF;
	s2 =	simm.s32 @!p0 $0x1C02  }
0x61: {  	[timem:s3], [sflag:s2] =	dma.local @!p0 [hbm:s0], s1  }
0x62: {  	s0 =	simm.s32 @!p0 $0x2  }
0x63: {  	_ =	swait.ge @!p0 [sflag:s0], s1  }
0x64: {  	s1 =	ssub.s32 @!p0 $0x0, s1;
	[sflag:s0] =	ssyncset.done @!p0 $0x0  }
0x65: {  	[sflag:s0] =	ssyncadd.s32 @!p0 s1  }
0x66: {  	[bflag:$0x3] =	sbarrier.arrive $0xFFFF  }
0x67: {  	_ =	shalt  }

</sc_bundles>
